<compile_context>
chip_gen: v7x
topology: tpu7x:2x2x1
jax: 0.10.2.dev20260603
libtpu: 0.0.44.dev20260713+nightly
codegen_flags: <defaults>
</compile_context>

<pallas_src>
import functools

import jax
import jax.numpy as jnp
from jax import lax
from jax.experimental import pallas as pl
from jax.experimental.pallas import tpu as pltpu
from jax.experimental.pallas import tpu_sc as plsc

B = 4096
N_NUM = 13
N_CAT = 26
VOCAB = 1000
EMB = 50
R = B * N_CAT
EMBP = 64
TB = 1024
EPS = 1e-5


def _build_gather():
    info = plsc.get_sparse_core_info()
    nc, ns = info.num_cores, info.num_subcores
    nw = nc * ns
    per_w = R // nw
    ch = 128
    nch = per_w // ch
    assert per_w * nw == R and nch * ch == per_w

    mesh = plsc.VectorSubcoreMesh(core_axis_name="c", subcore_axis_name="s")

    @functools.partial(
        pl.kernel,
        out_type=jax.ShapeDtypeStruct((R, EMBP), jnp.float32),
        mesh=mesh,
        compiler_params=pltpu.CompilerParams(use_tc_tiling_on_sc=False),
        scratch_types=[
            pltpu.VMEM((per_w,), jnp.int32),
            pltpu.VMEM((ch, EMBP), jnp.float32),
            pltpu.VMEM((ch, EMBP), jnp.float32),
            pltpu.VMEM((ch, EMBP), jnp.float32),
            pltpu.VMEM((ch, EMBP), jnp.float32),
            pltpu.SemaphoreType.DMA,
            pltpu.SemaphoreType.DMA,
            pltpu.SemaphoreType.DMA,
            pltpu.SemaphoreType.DMA,
        ],
    )
    def gather(table_hbm, idx_hbm, out_hbm, idx_v, rows_a, rows_b, rows_c,
               rows_d, sem_a, sem_b, sem_c, sem_d):
        wid = lax.axis_index("s") * nc + lax.axis_index("c")
        base = wid * per_w
        pltpu.sync_copy(idx_hbm.at[pl.ds(base, per_w)], idx_v)
        rows = (rows_a, rows_b, rows_c, rows_d)
        sems = (sem_a, sem_b, sem_c, sem_d)

        def quad(i, carry):
            c0 = i * 4
            ds = [pltpu.async_copy(
                table_hbm.at[idx_v.at[pl.ds((c0 + k) * ch, ch)]],
                rows[k], sems[k]) for k in range(4)]
            for k in range(4):
                ds[k].wait()
                pltpu.sync_copy(rows[k],
                                out_hbm.at[pl.ds(base + (c0 + k) * ch, ch)])
            return carry

        lax.fori_loop(0, nch // 4, quad, 0)
        c0 = (nch // 4) * 4
        ds = [pltpu.async_copy(
            table_hbm.at[idx_v.at[pl.ds((c0 + k) * ch, ch)]],
            rows[k], sems[k]) for k in range(nch % 4)]
        for k in range(nch % 4):
            ds[k].wait()
            pltpu.sync_copy(rows[k],
                            out_hbm.at[pl.ds(base + (c0 + k) * ch, ch)])

    return gather


_gather_cache = []


def _gather(table, gidx):
    if not _gather_cache:
        _gather_cache.append(_build_gather())
    return _gather_cache[0](table, gidx)


def _layer1_body(xnum_ref, emb_ref, w1a_ref, w1b_ref, b1_ref, h_ref, s_ref, q_ref,
                 wp_ref):
    i = pl.program_id(0)

    @pl.when(i == 0)
    def _():
        wp_ref[...] = jnp.zeros_like(wp_ref)
        for f in range(N_CAT):
            wp_ref[pl.ds(f * EMBP, EMB), :] = (
                w1b_ref[pl.ds(f * EMB, EMB), :].astype(jnp.bfloat16))

    h = (jnp.dot(xnum_ref[...].astype(jnp.bfloat16),
                 w1a_ref[...].astype(jnp.bfloat16),
                 preferred_element_type=jnp.float32)
         + jnp.dot(emb_ref[...].astype(jnp.bfloat16), wp_ref[...],
                   preferred_element_type=jnp.float32)
         + b1_ref[...])
    h_ref[...] = h

    @pl.when(i == 0)
    def _():
        s_ref[...] = jnp.zeros_like(s_ref)
        q_ref[...] = jnp.zeros_like(q_ref)

    s_ref[...] += jnp.sum(h, axis=0, keepdims=True)
    q_ref[...] += jnp.sum(h * h, axis=0, keepdims=True)


def _mid_body(h_ref, s_in, q_in, g_ref, bt_ref, w_ref, b_ref, o_ref, s_ref, q_ref):
    i = pl.program_id(0)
    mu = s_in[...] * (1.0 / B)
    var = q_in[...] * (1.0 / B) - mu * mu
    a = g_ref[...] * lax.rsqrt(var + EPS)
    c = bt_ref[...] - mu * a
    x = jnp.maximum(h_ref[...] * a + c, 0.0)
    h = jnp.dot(x.astype(jnp.bfloat16), w_ref[...].astype(jnp.bfloat16),
                preferred_element_type=jnp.float32) + b_ref[...]
    o_ref[...] = h

    @pl.when(i == 0)
    def _():
        s_ref[...] = jnp.zeros_like(s_ref)
        q_ref[...] = jnp.zeros_like(q_ref)

    s_ref[...] += jnp.sum(h, axis=0, keepdims=True)
    q_ref[...] += jnp.sum(h * h, axis=0, keepdims=True)


def _final_body(h_ref, s_in, q_in, g_ref, bt_ref, wo_ref, bo_ref, o_ref):
    mu = s_in[...] * (1.0 / B)
    var = q_in[...] * (1.0 / B) - mu * mu
    a = g_ref[...] * lax.rsqrt(var + EPS)
    c = bt_ref[...] - mu * a
    x = jnp.maximum(h_ref[...] * a + c, 0.0)
    o_ref[...] = jnp.sum(x * wo_ref[...], axis=1, keepdims=True) + bo_ref[0, 0]


def _full(shape):
    return pl.BlockSpec(shape, lambda i: (0, 0))


def _layer1(xnum, emb, w1a, w1b, b1):
    d = w1a.shape[1]
    grid = B // TB
    return pl.pallas_call(
        _layer1_body,
        grid=(grid,),
        in_specs=[
            pl.BlockSpec((TB, N_NUM), lambda i: (i, 0)),
            pl.BlockSpec((TB, N_CAT * EMBP), lambda i: (i, 0)),
            _full(w1a.shape),
            _full(w1b.shape),
            _full((1, d)),
        ],
        out_specs=[
            pl.BlockSpec((TB, d), lambda i: (i, 0)),
            _full((1, d)),
            _full((1, d)),
        ],
        out_shape=[
            jax.ShapeDtypeStruct((B, d), jnp.float32),
            jax.ShapeDtypeStruct((1, d), jnp.float32),
            jax.ShapeDtypeStruct((1, d), jnp.float32),
        ],
        scratch_shapes=[pltpu.VMEM((N_CAT * EMBP, d), jnp.bfloat16)],
    )(xnum, emb, w1a, w1b, b1)


def _mid(h, s, q, g, bt, w, b):
    d_in, d_out = w.shape
    grid = B // TB
    return pl.pallas_call(
        _mid_body,
        grid=(grid,),
        in_specs=[
            pl.BlockSpec((TB, d_in), lambda i: (i, 0)),
            _full((1, d_in)),
            _full((1, d_in)),
            _full((1, d_in)),
            _full((1, d_in)),
            _full((d_in, d_out)),
            _full((1, d_out)),
        ],
        out_specs=[
            pl.BlockSpec((TB, d_out), lambda i: (i, 0)),
            _full((1, d_out)),
            _full((1, d_out)),
        ],
        out_shape=[
            jax.ShapeDtypeStruct((B, d_out), jnp.float32),
            jax.ShapeDtypeStruct((1, d_out), jnp.float32),
            jax.ShapeDtypeStruct((1, d_out), jnp.float32),
        ],
    )(h, s, q, g, bt, w, b)


def _final(h, s, q, g, bt, wo, bo):
    d_in = h.shape[1]
    grid = B // TB
    return pl.pallas_call(
        _final_body,
        grid=(grid,),
        in_specs=[
            pl.BlockSpec((TB, d_in), lambda i: (i, 0)),
            _full((1, d_in)),
            _full((1, d_in)),
            _full((1, d_in)),
            _full((1, d_in)),
            _full((1, d_in)),
            _full((1, 1)),
        ],
        out_specs=pl.BlockSpec((TB, 1), lambda i: (i, 0)),
        out_shape=jax.ShapeDtypeStruct((B, 1), jnp.float32),
    )(h, s, q, g, bt, wo, bo)


def kernel(xb, emb_tables, W1, b1, g1, bt1, W2, b2, g2, bt2, W3, b3, g3, bt3, Wo, bo):
    cats = xb[:, N_NUM:N_NUM + N_CAT].astype(jnp.int32)
    gidx = (cats + (jnp.arange(N_CAT, dtype=jnp.int32) * VOCAB)[None, :]).reshape(-1)
    table = jnp.pad(emb_tables.reshape(N_CAT * VOCAB, EMB),
                    ((0, 0), (0, EMBP - EMB)))

    emb = _gather(table, gidx).reshape(B, N_CAT * EMBP)
    xnum = xb[:, :N_NUM]

    h1, s1, q1 = _layer1(xnum, emb, W1[:N_NUM], W1[N_NUM:], b1.reshape(1, -1))
    h2, s2, q2 = _mid(h1, s1, q1, g1.reshape(1, -1), bt1.reshape(1, -1), W2,
                      b2.reshape(1, -1))
    h3, s3, q3 = _mid(h2, s2, q2, g2.reshape(1, -1), bt2.reshape(1, -1), W3,
                      b3.reshape(1, -1))
    out = _final(h3, s3, q3, g3.reshape(1, -1), bt3.reshape(1, -1),
                 Wo.reshape(1, -1), bo.reshape(1, 1))
    return out.reshape(B)

# --- scband reference (transcript-rebuilt; emitter-appended) ---
"""Pipeline reference for scband-simple-mlp-11630771438136 (READ-ONLY COPY).

The authoritative reference and input builder live on the scoring server;
editing this copy changes nothing except your own understanding.
"""

import jax, jax.numpy as jnp
import numpy as np

B = 4096
N_NUM = 13
N_CAT = 26
VOCAB = 1000
EMB = 50
DIMS = [N_NUM + N_CAT * EMB, 1024, 512, 256]


def setup_inputs(seed: int = 0) -> dict:
    key = jax.random.key(seed)
    ks = jax.random.split(key, 16)
    x_num = jax.random.uniform(ks[0], (B, N_NUM), dtype=jnp.float32)
    x_cat = jax.random.randint(ks[1], (B, N_CAT), 0, VOCAB).astype(jnp.float32)
    xb = jnp.concatenate([x_num, x_cat], axis=1)
    emb_tables = jax.random.normal(ks[2], (N_CAT, VOCAB, EMB), dtype=jnp.float32) * 0.02
    inp = {"xb": xb, "emb_tables": emb_tables}
    for i in range(3):
        d_in, d_out = DIMS[i], DIMS[i + 1]
        inp[f"W{i+1}"] = jax.random.normal(ks[3 + 2 * i], (d_in, d_out), dtype=jnp.float32) * (1.0 / np.sqrt(d_in))
        inp[f"b{i+1}"] = jnp.zeros((d_out,), dtype=jnp.float32)
        inp[f"g{i+1}"] = jnp.ones((d_out,), dtype=jnp.float32)
        inp[f"bt{i+1}"] = jnp.zeros((d_out,), dtype=jnp.float32)
    inp["Wo"] = jax.random.normal(ks[10], (DIMS[-1], 1), dtype=jnp.float32) * (1.0 / np.sqrt(DIMS[-1]))
    inp["bo"] = jnp.zeros((1,), dtype=jnp.float32)
    return inp


def _mlp(xb, emb_tables, W1, b1, g1, bt1, W2, b2, g2, bt2, W3, b3, g3, bt3, Wo, bo):
    cats = jax.lax.stop_gradient(xb[:, N_NUM:N_NUM + N_CAT]).astype(jnp.int32)
    # per-field embedding lookup (gather): [B, N_CAT, EMB]
    emb = jax.vmap(lambda t, c: jnp.take(t, c, axis=0), in_axes=(0, 1), out_axes=1)(emb_tables, cats)
    x = jnp.concatenate([xb[:, :N_NUM], emb.reshape(xb.shape[0], -1)], axis=1)
    for W, b, g, bt in ((W1, b1, g1, bt1), (W2, b2, g2, bt2), (W3, b3, g3, bt3)):
        h = x @ W + b
        mu = jnp.mean(h, axis=0)
        var = jnp.var(h, axis=0)
        h = (h - mu) / jnp.sqrt(var + 1e-5) * g + bt  # BatchNorm1d (batch stats)
        x = jnp.maximum(h, 0.0)  # ReLU; dropout is identity in eval
    return (x @ Wo + bo).squeeze(-1)


def reference(xb, emb_tables, W1, b1, g1, bt1, W2, b2, g2, bt2, W3, b3, g3, bt3, Wo, bo):
    return _mlp(xb, emb_tables, W1, b1, g1, bt1, W2, b2, g2, bt2, W3, b3, g3, bt3, Wo, bo)

if __name__ == "__main__":
    import jax
    _d = setup_inputs()
    print(jax.jit(kernel)(*tuple(_d.values())))

</pallas_src>

<mosaic_0001>
#map = affine_map<(d0, d1) -> (0, 0)>
#map1 = affine_map<(d0, d1) -> (0)>
module attributes {stable_mosaic.version = 14 : i64} {
  func.func @gather(%arg0: i32, %arg1: i32, %arg2: memref<26000x64xf32, #tpu.memory_space<hbm>>, %arg3: memref<106496xi32, #tpu.memory_space<hbm>>, %arg4: memref<106496x64xf32, #tpu.memory_space<hbm>>, %arg5: memref<3328xi32, #tpu.memory_space<vmem>>, %arg6: memref<128x64xf32, #tpu.memory_space<vmem>>, %arg7: memref<128x64xf32, #tpu.memory_space<vmem>>, %arg8: memref<128x64xf32, #tpu.memory_space<vmem>>, %arg9: memref<128x64xf32, #tpu.memory_space<vmem>>, %arg10: memref<!tpu.dma_semaphore, #tpu.memory_space<semaphore_mem>>, %arg11: memref<!tpu.dma_semaphore, #tpu.memory_space<semaphore_mem>>, %arg12: memref<!tpu.dma_semaphore, #tpu.memory_space<semaphore_mem>>, %arg13: memref<!tpu.dma_semaphore, #tpu.memory_space<semaphore_mem>>) attributes {dimension_semantics = [#tpu.dimension_semantics<core_parallel>, #tpu.dimension_semantics<subcore_parallel>], iteration_bounds = array<i64: 2, 16>, scalar_prefetch = 0 : i64, scratch_operands = 9 : i64, tpu.core_type = #tpu.core_type<sc_vector_subcore>, window_params = [{transform_indices = #map}, {transform_indices = #map1}, {transform_indices = #map}]} {
    %mul3A = arith.constant 2 : i32
    %mul3A_0 = arith.muli %arg1, %mul3A : i32
    %add3A = arith.addi %mul3A_0, %arg0 : i32
    %mul3A_1 = arith.constant 3328 : i32
    %mul3A_2 = arith.muli %add3A, %mul3A_1 : i32
    "tpu.region"() ({
      %run_scoped3A = tpu.sem_alloc : memref<!tpu.dma_semaphore, #tpu.memory_space<semaphore_mem>>
      %dma_start3A_30 = tpu.memref_slice %arg3[%mul3A_2] : memref<106496xi32, #tpu.memory_space<hbm>> -> memref<3328xi32, #tpu.memory_space<hbm>>
      %dma_start3A_31 = tpu.memref_slice %arg3[%mul3A_2] : memref<106496xi32, #tpu.memory_space<hbm>> -> memref<3328xi32, #tpu.memory_space<hbm>>
      tpu.enqueue_dma source(%dma_start3A_31 : memref<3328xi32, #tpu.memory_space<hbm>>) target(%arg5 : memref<3328xi32, #tpu.memory_space<vmem>>) target_semaphore(%run_scoped3A : memref<!tpu.dma_semaphore, #tpu.memory_space<semaphore_mem>>)
      %dma_wait3A_32 = tpu.memref_slice %arg3[%mul3A_2] : memref<106496xi32, #tpu.memory_space<hbm>> -> memref<3328xi32, #tpu.memory_space<hbm>>
      %dma_wait3A_33 = tpu.memref_slice %arg3[%mul3A_2] : memref<106496xi32, #tpu.memory_space<hbm>> -> memref<3328xi32, #tpu.memory_space<hbm>>
      tpu.wait_dma2 semaphore(%run_scoped3A : memref<!tpu.dma_semaphore, #tpu.memory_space<semaphore_mem>>) src(%dma_wait3A_33 : memref<3328xi32, #tpu.memory_space<hbm>>) dst(%arg5 : memref<3328xi32, #tpu.memory_space<vmem>>)
      tpu.yield
    }) : () -> ()
    %scan3A = arith.constant 0 : i32
    %scan3A_3 = arith.constant 0 : i32
    %scan3A_4 = arith.constant 6 : i32
    %scan3A_5 = arith.addi %scan3A_3, %scan3A_4 : i32
    %scan3A_6 = arith.constant 1 : i32
    scf.for %scan3A_30 = %scan3A_3 to %scan3A_5 step %scan3A_6  : i32 {
      %mul3A_31 = arith.constant 4 : i32
      %mul3A_32 = arith.muli %scan3A_30, %mul3A_31 : i32
      %add3A_33 = arith.constant 0 : i32
      %add3A_34 = arith.addi %mul3A_32, %add3A_33 : i32
      %mul3A_35 = arith.constant 128 : i32
      %mul3A_36 = arith.muli %add3A_34, %mul3A_35 : i32
      %dma_start3A_37 = tpu.memref_slice %arg5[%mul3A_36] : memref<3328xi32, #tpu.memory_space<vmem>> -> memref<128xi32, #tpu.memory_space<vmem>>
      %dma_start3A_38 = arith.constant 0 : i32
      %dma_start3A_39 = arith.constant 0 : i32
      %dma_start3A_40 = tpu.memref_slice %arg2[%dma_start3A_38, %dma_start3A_39] : memref<26000x64xf32, #tpu.memory_space<hbm>> -> memref<26000x64xf32, #tpu.memory_space<hbm>>
      tpu.enqueue_indirect_dma source(%dma_start3A_40 : memref<26000x64xf32, #tpu.memory_space<hbm>>) target(%arg6 : memref<128x64xf32, #tpu.memory_space<vmem>>) offsets(%dma_start3A_37 : memref<128xi32, #tpu.memory_space<vmem>>) semaphore(%arg10 : memref<!tpu.dma_semaphore, #tpu.memory_space<semaphore_mem>>)
      %add3A_41 = arith.constant 1 : i32
      %add3A_42 = arith.addi %mul3A_32, %add3A_41 : i32
      %mul3A_43 = arith.constant 128 : i32
      %mul3A_44 = arith.muli %add3A_42, %mul3A_43 : i32
      %dma_start3A_45 = tpu.memref_slice %arg5[%mul3A_44] : memref<3328xi32, #tpu.memory_space<vmem>> -> memref<128xi32, #tpu.memory_space<vmem>>
      %dma_start3A_46 = arith.constant 0 : i32
      %dma_start3A_47 = arith.constant 0 : i32
      %dma_start3A_48 = tpu.memref_slice %arg2[%dma_start3A_46, %dma_start3A_47] : memref<26000x64xf32, #tpu.memory_space<hbm>> -> memref<26000x64xf32, #tpu.memory_space<hbm>>
      tpu.enqueue_indirect_dma source(%dma_start3A_48 : memref<26000x64xf32, #tpu.memory_space<hbm>>) target(%arg7 : memref<128x64xf32, #tpu.memory_space<vmem>>) offsets(%dma_start3A_45 : memref<128xi32, #tpu.memory_space<vmem>>) semaphore(%arg11 : memref<!tpu.dma_semaphore, #tpu.memory_space<semaphore_mem>>)
      %add3A_49 = arith.constant 2 : i32
      %add3A_50 = arith.addi %mul3A_32, %add3A_49 : i32
      %mul3A_51 = arith.constant 128 : i32
      %mul3A_52 = arith.muli %add3A_50, %mul3A_51 : i32
      %dma_start3A_53 = tpu.memref_slice %arg5[%mul3A_52] : memref<3328xi32, #tpu.memory_space<vmem>> -> memref<128xi32, #tpu.memory_space<vmem>>
      %dma_start3A_54 = arith.constant 0 : i32
      %dma_start3A_55 = arith.constant 0 : i32
      %dma_start3A_56 = tpu.memref_slice %arg2[%dma_start3A_54, %dma_start3A_55] : memref<26000x64xf32, #tpu.memory_space<hbm>> -> memref<26000x64xf32, #tpu.memory_space<hbm>>
      tpu.enqueue_indirect_dma source(%dma_start3A_56 : memref<26000x64xf32, #tpu.memory_space<hbm>>) target(%arg8 : memref<128x64xf32, #tpu.memory_space<vmem>>) offsets(%dma_start3A_53 : memref<128xi32, #tpu.memory_space<vmem>>) semaphore(%arg12 : memref<!tpu.dma_semaphore, #tpu.memory_space<semaphore_mem>>)
      %add3A_57 = arith.constant 3 : i32
      %add3A_58 = arith.addi %mul3A_32, %add3A_57 : i32
      %mul3A_59 = arith.constant 128 : i32
      %mul3A_60 = arith.muli %add3A_58, %mul3A_59 : i32
      %dma_start3A_61 = tpu.memref_slice %arg5[%mul3A_60] : memref<3328xi32, #tpu.memory_space<vmem>> -> memref<128xi32, #tpu.memory_space<vmem>>
      %dma_start3A_62 = arith.constant 0 : i32
      %dma_start3A_63 = arith.constant 0 : i32
      %dma_start3A_64 = tpu.memref_slice %arg2[%dma_start3A_62, %dma_start3A_63] : memref<26000x64xf32, #tpu.memory_space<hbm>> -> memref<26000x64xf32, #tpu.memory_space<hbm>>
      tpu.enqueue_indirect_dma source(%dma_start3A_64 : memref<26000x64xf32, #tpu.memory_space<hbm>>) target(%arg9 : memref<128x64xf32, #tpu.memory_space<vmem>>) offsets(%dma_start3A_61 : memref<128xi32, #tpu.memory_space<vmem>>) semaphore(%arg13 : memref<!tpu.dma_semaphore, #tpu.memory_space<semaphore_mem>>)
      %dma_wait3A_65 = tpu.memref_slice %arg5[%mul3A_36] : memref<3328xi32, #tpu.memory_space<vmem>> -> memref<128xi32, #tpu.memory_space<vmem>>
      %dma_wait3A_66 = arith.constant 0 : i32
      %dma_wait3A_67 = arith.constant 0 : i32
      %dma_wait3A_68 = tpu.memref_slice %arg2[%dma_wait3A_66, %dma_wait3A_67] : memref<26000x64xf32, #tpu.memory_space<hbm>> -> memref<26000x64xf32, #tpu.memory_space<hbm>>
      tpu.wait_indirect_dma semaphore(%arg10 : memref<!tpu.dma_semaphore, #tpu.memory_space<semaphore_mem>>) src(%dma_wait3A_68 : memref<26000x64xf32, #tpu.memory_space<hbm>>) dst(%arg6 : memref<128x64xf32, #tpu.memory_space<vmem>>)
      %add3A_69 = arith.constant 0 : i32
      %add3A_70 = arith.addi %mul3A_32, %add3A_69 : i32
      %mul3A_71 = arith.constant 128 : i32
      %mul3A_72 = arith.muli %add3A_70, %mul3A_71 : i32
      %add3A_73 = arith.addi %mul3A_2, %mul3A_72 : i32
      "tpu.region"() ({
        %run_scoped3A = tpu.sem_alloc : memref<!tpu.dma_semaphore, #tpu.memory_space<semaphore_mem>>
        %dma_start3A_101 = arith.constant 0 : i32
        %dma_start3A_102 = tpu.memref_slice %arg4[%add3A_73, %dma_start3A_101] : memref<106496x64xf32, #tpu.memory_space<hbm>> -> memref<128x64xf32, #tpu.memory_space<hbm>>
        %dma_start3A_103 = arith.constant 0 : i32
        %dma_start3A_104 = tpu.memref_slice %arg4[%add3A_73, %dma_start3A_103] : memref<106496x64xf32, #tpu.memory_space<hbm>> -> memref<128x64xf32, #tpu.memory_space<hbm>>
        tpu.enqueue_dma source(%arg6 : memref<128x64xf32, #tpu.memory_space<vmem>>) target(%dma_start3A_104 : memref<128x64xf32, #tpu.memory_space<hbm>>) target_semaphore(%run_scoped3A : memref<!tpu.dma_semaphore, #tpu.memory_space<semaphore_mem>>)
        %dma_wait3A_105 = arith.constant 0 : i32
        %dma_wait3A_106 = tpu.memref_slice %arg4[%add3A_73, %dma_wait3A_105] : memref<106496x64xf32, #tpu.memory_space<hbm>> -> memref<128x64xf32, #tpu.memory_space<hbm>>
        %dma_wait3A_107 = arith.constant 0 : i32
        %dma_wait3A_108 = tpu.memref_slice %arg4[%add3A_73, %dma_wait3A_107] : memref<106496x64xf32, #tpu.memory_space<hbm>> -> memref<128x64xf32, #tpu.memory_space<hbm>>
        tpu.wait_dma2 semaphore(%run_scoped3A : memref<!tpu.dma_semaphore, #tpu.memory_space<semaphore_mem>>) src(%arg6 : memref<128x64xf32, #tpu.memory_space<vmem>>) dst(%dma_wait3A_108 : memref<128x64xf32, #tpu.memory_space<hbm>>)
        tpu.yield
      }) : () -> ()
      %dma_wait3A_74 = tpu.memref_slice %arg5[%mul3A_44] : memref<3328xi32, #tpu.memory_space<vmem>> -> memref<128xi32, #tpu.memory_space<vmem>>
      %dma_wait3A_75 = arith.constant 0 : i32
      %dma_wait3A_76 = arith.constant 0 : i32
      %dma_wait3A_77 = tpu.memref_slice %arg2[%dma_wait3A_75, %dma_wait3A_76] : memref<26000x64xf32, #tpu.memory_space<hbm>> -> memref<26000x64xf32, #tpu.memory_space<hbm>>
      tpu.wait_indirect_dma semaphore(%arg11 : memref<!tpu.dma_semaphore, #tpu.memory_space<semaphore_mem>>) src(%dma_wait3A_77 : memref<26000x64xf32, #tpu.memory_space<hbm>>) dst(%arg7 : memref<128x64xf32, #tpu.memory_space<vmem>>)
      %add3A_78 = arith.constant 1 : i32
      %add3A_79 = arith.addi %mul3A_32, %add3A_78 : i32
      %mul3A_80 = arith.constant 128 : i32
      %mul3A_81 = arith.muli %add3A_79, %mul3A_80 : i32
      %add3A_82 = arith.addi %mul3A_2, %mul3A_81 : i32
      "tpu.region"() ({
        %run_scoped3A = tpu.sem_alloc : memref<!tpu.dma_semaphore, #tpu.memory_space<semaphore_mem>>
        %dma_start3A_101 = arith.constant 0 : i32
        %dma_start3A_102 = tpu.memref_slice %arg4[%add3A_82, %dma_start3A_101] : memref<106496x64xf32, #tpu.memory_space<hbm>> -> memref<128x64xf32, #tpu.memory_space<hbm>>
        %dma_start3A_103 = arith.constant 0 : i32
        %dma_start3A_104 = tpu.memref_slice %arg4[%add3A_82, %dma_start3A_103] : memref<106496x64xf32, #tpu.memory_space<hbm>> -> memref<128x64xf32, #tpu.memory_space<hbm>>
        tpu.enqueue_dma source(%arg7 : memref<128x64xf32, #tpu.memory_space<vmem>>) target(%dma_start3A_104 : memref<128x64xf32, #tpu.memory_space<hbm>>) target_semaphore(%run_scoped3A : memref<!tpu.dma_semaphore, #tpu.memory_space<semaphore_mem>>)
        %dma_wait3A_105 = arith.constant 0 : i32
        %dma_wait3A_106 = tpu.memref_slice %arg4[%add3A_82, %dma_wait3A_105] : memref<106496x64xf32, #tpu.memory_space<hbm>> -> memref<128x64xf32, #tpu.memory_space<hbm>>
        %dma_wait3A_107 = arith.constant 0 : i32
        %dma_wait3A_108 = tpu.memref_slice %arg4[%add3A_82, %dma_wait3A_107] : memref<106496x64xf32, #tpu.memory_space<hbm>> -> memref<128x64xf32, #tpu.memory_space<hbm>>
        tpu.wait_dma2 semaphore(%run_scoped3A : memref<!tpu.dma_semaphore, #tpu.memory_space<semaphore_mem>>) src(%arg7 : memref<128x64xf32, #tpu.memory_space<vmem>>) dst(%dma_wait3A_108 : memref<128x64xf32, #tpu.memory_space<hbm>>)
        tpu.yield
      }) : () -> ()
      %dma_wait3A_83 = tpu.memref_slice %arg5[%mul3A_52] : memref<3328xi32, #tpu.memory_space<vmem>> -> memref<128xi32, #tpu.memory_space<vmem>>
      %dma_wait3A_84 = arith.constant 0 : i32
      %dma_wait3A_85 = arith.constant 0 : i32
      %dma_wait3A_86 = tpu.memref_slice %arg2[%dma_wait3A_84, %dma_wait3A_85] : memref<26000x64xf32, #tpu.memory_space<hbm>> -> memref<26000x64xf32, #tpu.memory_space<hbm>>
      tpu.wait_indirect_dma semaphore(%arg12 : memref<!tpu.dma_semaphore, #tpu.memory_space<semaphore_mem>>) src(%dma_wait3A_86 : memref<26000x64xf32, #tpu.memory_space<hbm>>) dst(%arg8 : memref<128x64xf32, #tpu.memory_space<vmem>>)
      %add3A_87 = arith.constant 2 : i32
      %add3A_88 = arith.addi %mul3A_32, %add3A_87 : i32
      %mul3A_89 = arith.constant 128 : i32
      %mul3A_90 = arith.muli %add3A_88, %mul3A_89 : i32
      %add3A_91 = arith.addi %mul3A_2, %mul3A_90 : i32
      "tpu.region"() ({
        %run_scoped3A = tpu.sem_alloc : memref<!tpu.dma_semaphore, #tpu.memory_space<semaphore_mem>>
        %dma_start3A_101 = arith.constant 0 : i32
        %dma_start3A_102 = tpu.memref_slice %arg4[%add3A_91, %dma_start3A_101] : memref<106496x64xf32, #tpu.memory_space<hbm>> -> memref<128x64xf32, #tpu.memory_space<hbm>>
        %dma_start3A_103 = arith.constant 0 : i32
        %dma_start3A_104 = tpu.memref_slice %arg4[%add3A_91, %dma_start3A_103] : memref<106496x64xf32, #tpu.memory_space<hbm>> -> memref<128x64xf32, #tpu.memory_space<hbm>>
        tpu.enqueue_dma source(%arg8 : memref<128x64xf32, #tpu.memory_space<vmem>>) target(%dma_start3A_104 : memref<128x64xf32, #tpu.memory_space<hbm>>) target_semaphore(%run_scoped3A : memref<!tpu.dma_semaphore, #tpu.memory_space<semaphore_mem>>)
        %dma_wait3A_105 = arith.constant 0 : i32
        %dma_wait3A_106 = tpu.memref_slice %arg4[%add3A_91, %dma_wait3A_105] : memref<106496x64xf32, #tpu.memory_space<hbm>> -> memref<128x64xf32, #tpu.memory_space<hbm>>
        %dma_wait3A_107 = arith.constant 0 : i32
        %dma_wait3A_108 = tpu.memref_slice %arg4[%add3A_91, %dma_wait3A_107] : memref<106496x64xf32, #tpu.memory_space<hbm>> -> memref<128x64xf32, #tpu.memory_space<hbm>>
        tpu.wait_dma2 semaphore(%run_scoped3A : memref<!tpu.dma_semaphore, #tpu.memory_space<semaphore_mem>>) src(%arg8 : memref<128x64xf32, #tpu.memory_space<vmem>>) dst(%dma_wait3A_108 : memref<128x64xf32, #tpu.memory_space<hbm>>)
        tpu.yield
      }) : () -> ()
      %dma_wait3A_92 = tpu.memref_slice %arg5[%mul3A_60] : memref<3328xi32, #tpu.memory_space<vmem>> -> memref<128xi32, #tpu.memory_space<vmem>>
      %dma_wait3A_93 = arith.constant 0 : i32
      %dma_wait3A_94 = arith.constant 0 : i32
      %dma_wait3A_95 = tpu.memref_slice %arg2[%dma_wait3A_93, %dma_wait3A_94] : memref<26000x64xf32, #tpu.memory_space<hbm>> -> memref<26000x64xf32, #tpu.memory_space<hbm>>
      tpu.wait_indirect_dma semaphore(%arg13 : memref<!tpu.dma_semaphore, #tpu.memory_space<semaphore_mem>>) src(%dma_wait3A_95 : memref<26000x64xf32, #tpu.memory_space<hbm>>) dst(%arg9 : memref<128x64xf32, #tpu.memory_space<vmem>>)
      %add3A_96 = arith.constant 3 : i32
      %add3A_97 = arith.addi %mul3A_32, %add3A_96 : i32
      %mul3A_98 = arith.constant 128 : i32
      %mul3A_99 = arith.muli %add3A_97, %mul3A_98 : i32
      %add3A_100 = arith.addi %mul3A_2, %mul3A_99 : i32
      "tpu.region"() ({
        %run_scoped3A = tpu.sem_alloc : memref<!tpu.dma_semaphore, #tpu.memory_space<semaphore_mem>>
        %dma_start3A_101 = arith.constant 0 : i32
        %dma_start3A_102 = tpu.memref_slice %arg4[%add3A_100, %dma_start3A_101] : memref<106496x64xf32, #tpu.memory_space<hbm>> -> memref<128x64xf32, #tpu.memory_space<hbm>>
        %dma_start3A_103 = arith.constant 0 : i32
        %dma_start3A_104 = tpu.memref_slice %arg4[%add3A_100, %dma_start3A_103] : memref<106496x64xf32, #tpu.memory_space<hbm>> -> memref<128x64xf32, #tpu.memory_space<hbm>>
        tpu.enqueue_dma source(%arg9 : memref<128x64xf32, #tpu.memory_space<vmem>>) target(%dma_start3A_104 : memref<128x64xf32, #tpu.memory_space<hbm>>) target_semaphore(%run_scoped3A : memref<!tpu.dma_semaphore, #tpu.memory_space<semaphore_mem>>)
        %dma_wait3A_105 = arith.constant 0 : i32
        %dma_wait3A_106 = tpu.memref_slice %arg4[%add3A_100, %dma_wait3A_105] : memref<106496x64xf32, #tpu.memory_space<hbm>> -> memref<128x64xf32, #tpu.memory_space<hbm>>
        %dma_wait3A_107 = arith.constant 0 : i32
        %dma_wait3A_108 = tpu.memref_slice %arg4[%add3A_100, %dma_wait3A_107] : memref<106496x64xf32, #tpu.memory_space<hbm>> -> memref<128x64xf32, #tpu.memory_space<hbm>>
        tpu.wait_dma2 semaphore(%run_scoped3A : memref<!tpu.dma_semaphore, #tpu.memory_space<semaphore_mem>>) src(%arg9 : memref<128x64xf32, #tpu.memory_space<vmem>>) dst(%dma_wait3A_108 : memref<128x64xf32, #tpu.memory_space<hbm>>)
        tpu.yield
      }) : () -> ()
    }
    %scan3A_7 = arith.constant 6 : i32
    %dma_start3A = arith.constant 3072 : i32
    %dma_start3A_8 = tpu.memref_slice %arg5[%dma_start3A] : memref<3328xi32, #tpu.memory_space<vmem>> -> memref<128xi32, #tpu.memory_space<vmem>>
    %dma_start3A_9 = arith.constant 0 : i32
    %dma_start3A_10 = arith.constant 0 : i32
    %dma_start3A_11 = tpu.memref_slice %arg2[%dma_start3A_9, %dma_start3A_10] : memref<26000x64xf32, #tpu.memory_space<hbm>> -> memref<26000x64xf32, #tpu.memory_space<hbm>>
    tpu.enqueue_indirect_dma source(%dma_start3A_11 : memref<26000x64xf32, #tpu.memory_space<hbm>>) target(%arg6 : memref<128x64xf32, #tpu.memory_space<vmem>>) offsets(%dma_start3A_8 : memref<128xi32, #tpu.memory_space<vmem>>) semaphore(%arg10 : memref<!tpu.dma_semaphore, #tpu.memory_space<semaphore_mem>>)
    %dma_start3A_12 = arith.constant 3200 : i32
    %dma_start3A_13 = tpu.memref_slice %arg5[%dma_start3A_12] : memref<3328xi32, #tpu.memory_space<vmem>> -> memref<128xi32, #tpu.memory_space<vmem>>
    %dma_start3A_14 = arith.constant 0 : i32
    %dma_start3A_15 = arith.constant 0 : i32
    %dma_start3A_16 = tpu.memref_slice %arg2[%dma_start3A_14, %dma_start3A_15] : memref<26000x64xf32, #tpu.memory_space<hbm>> -> memref<26000x64xf32, #tpu.memory_space<hbm>>
    tpu.enqueue_indirect_dma source(%dma_start3A_16 : memref<26000x64xf32, #tpu.memory_space<hbm>>) target(%arg7 : memref<128x64xf32, #tpu.memory_space<vmem>>) offsets(%dma_start3A_13 : memref<128xi32, #tpu.memory_space<vmem>>) semaphore(%arg11 : memref<!tpu.dma_semaphore, #tpu.memory_space<semaphore_mem>>)
    %dma_wait3A = arith.constant 3072 : i32
    %dma_wait3A_17 = tpu.memref_slice %arg5[%dma_wait3A] : memref<3328xi32, #tpu.memory_space<vmem>> -> memref<128xi32, #tpu.memory_space<vmem>>
    %dma_wait3A_18 = arith.constant 0 : i32
    %dma_wait3A_19 = arith.constant 0 : i32
    %dma_wait3A_20 = tpu.memref_slice %arg2[%dma_wait3A_18, %dma_wait3A_19] : memref<26000x64xf32, #tpu.memory_space<hbm>> -> memref<26000x64xf32, #tpu.memory_space<hbm>>
    tpu.wait_indirect_dma semaphore(%arg10 : memref<!tpu.dma_semaphore, #tpu.memory_space<semaphore_mem>>) src(%dma_wait3A_20 : memref<26000x64xf32, #tpu.memory_space<hbm>>) dst(%arg6 : memref<128x64xf32, #tpu.memory_space<vmem>>)
    %add3A_21 = arith.constant 3072 : i32
    %add3A_22 = arith.addi %mul3A_2, %add3A_21 : i32
    "tpu.region"() ({
      %run_scoped3A = tpu.sem_alloc : memref<!tpu.dma_semaphore, #tpu.memory_space<semaphore_mem>>
      %dma_start3A_30 = arith.constant 0 : i32
      %dma_start3A_31 = tpu.memref_slice %arg4[%add3A_22, %dma_start3A_30] : memref<106496x64xf32, #tpu.memory_space<hbm>> -> memref<128x64xf32, #tpu.memory_space<hbm>>
      %dma_start3A_32 = arith.constant 0 : i32
      %dma_start3A_33 = tpu.memref_slice %arg4[%add3A_22, %dma_start3A_32] : memref<106496x64xf32, #tpu.memory_space<hbm>> -> memref<128x64xf32, #tpu.memory_space<hbm>>
      tpu.enqueue_dma source(%arg6 : memref<128x64xf32, #tpu.memory_space<vmem>>) target(%dma_start3A_33 : memref<128x64xf32, #tpu.memory_space<hbm>>) target_semaphore(%run_scoped3A : memref<!tpu.dma_semaphore, #tpu.memory_space<semaphore_mem>>)
      %dma_wait3A_34 = arith.constant 0 : i32
      %dma_wait3A_35 = tpu.memref_slice %arg4[%add3A_22, %dma_wait3A_34] : memref<106496x64xf32, #tpu.memory_space<hbm>> -> memref<128x64xf32, #tpu.memory_space<hbm>>
      %dma_wait3A_36 = arith.constant 0 : i32
      %dma_wait3A_37 = tpu.memref_slice %arg4[%add3A_22, %dma_wait3A_36] : memref<106496x64xf32, #tpu.memory_space<hbm>> -> memref<128x64xf32, #tpu.memory_space<hbm>>
      tpu.wait_dma2 semaphore(%run_scoped3A : memref<!tpu.dma_semaphore, #tpu.memory_space<semaphore_mem>>) src(%arg6 : memref<128x64xf32, #tpu.memory_space<vmem>>) dst(%dma_wait3A_37 : memref<128x64xf32, #tpu.memory_space<hbm>>)
      tpu.yield
    }) : () -> ()
    %dma_wait3A_23 = arith.constant 3200 : i32
    %dma_wait3A_24 = tpu.memref_slice %arg5[%dma_wait3A_23] : memref<3328xi32, #tpu.memory_space<vmem>> -> memref<128xi32, #tpu.memory_space<vmem>>
    %dma_wait3A_25 = arith.constant 0 : i32
    %dma_wait3A_26 = arith.constant 0 : i32
    %dma_wait3A_27 = tpu.memref_slice %arg2[%dma_wait3A_25, %dma_wait3A_26] : memref<26000x64xf32, #tpu.memory_space<hbm>> -> memref<26000x64xf32, #tpu.memory_space<hbm>>
    tpu.wait_indirect_dma semaphore(%arg11 : memref<!tpu.dma_semaphore, #tpu.memory_space<semaphore_mem>>) src(%dma_wait3A_27 : memref<26000x64xf32, #tpu.memory_space<hbm>>) dst(%arg7 : memref<128x64xf32, #tpu.memory_space<vmem>>)
    %add3A_28 = arith.constant 3200 : i32
    %add3A_29 = arith.addi %mul3A_2, %add3A_28 : i32
    "tpu.region"() ({
      %run_scoped3A = tpu.sem_alloc : memref<!tpu.dma_semaphore, #tpu.memory_space<semaphore_mem>>
      %dma_start3A_30 = arith.constant 0 : i32
      %dma_start3A_31 = tpu.memref_slice %arg4[%add3A_29, %dma_start3A_30] : memref<106496x64xf32, #tpu.memory_space<hbm>> -> memref<128x64xf32, #tpu.memory_space<hbm>>
      %dma_start3A_32 = arith.constant 0 : i32
      %dma_start3A_33 = tpu.memref_slice %arg4[%add3A_29, %dma_start3A_32] : memref<106496x64xf32, #tpu.memory_space<hbm>> -> memref<128x64xf32, #tpu.memory_space<hbm>>
      tpu.enqueue_dma source(%arg7 : memref<128x64xf32, #tpu.memory_space<vmem>>) target(%dma_start3A_33 : memref<128x64xf32, #tpu.memory_space<hbm>>) target_semaphore(%run_scoped3A : memref<!tpu.dma_semaphore, #tpu.memory_space<semaphore_mem>>)
      %dma_wait3A_34 = arith.constant 0 : i32
      %dma_wait3A_35 = tpu.memref_slice %arg4[%add3A_29, %dma_wait3A_34] : memref<106496x64xf32, #tpu.memory_space<hbm>> -> memref<128x64xf32, #tpu.memory_space<hbm>>
      %dma_wait3A_36 = arith.constant 0 : i32
      %dma_wait3A_37 = tpu.memref_slice %arg4[%add3A_29, %dma_wait3A_36] : memref<106496x64xf32, #tpu.memory_space<hbm>> -> memref<128x64xf32, #tpu.memory_space<hbm>>
      tpu.wait_dma2 semaphore(%run_scoped3A : memref<!tpu.dma_semaphore, #tpu.memory_space<semaphore_mem>>) src(%arg7 : memref<128x64xf32, #tpu.memory_space<vmem>>) dst(%dma_wait3A_37 : memref<128x64xf32, #tpu.memory_space<hbm>>)
      tpu.yield
    }) : () -> ()
    return
  }
}

module attributes {stable_mosaic.version = 14 : i64} {
  func.func @_layer1_body(%arg0: i32, %arg1: memref<1024x13xf32, #tpu.memory_space<vmem>>, %arg2: memref<1024x1664xf32, #tpu.memory_space<vmem>>, %arg3: memref<13x1024xf32, #tpu.memory_space<vmem>>, %arg4: memref<1300x1024xf32, #tpu.memory_space<vmem>>, %arg5: memref<1x1024xf32, #tpu.memory_space<vmem>>, %arg6: memref<1024x1024xf32, #tpu.memory_space<vmem>>, %arg7: memref<1x1024xf32, #tpu.memory_space<vmem>>, %arg8: memref<1x1024xf32, #tpu.memory_space<vmem>>, %arg9: memref<1664x1024xbf16, #tpu.memory_space<vmem>>) attributes {dimension_semantics = [#tpu.dimension_semantics<arbitrary>], iteration_bounds = array<i64: 4>, scalar_prefetch = 0 : i64, scratch_operands = 1 : i64, tpu.core_type = #tpu.core_type<tc>, window_params = [{transform_indices = @transform_0, window_bounds = array<i64: 1024, 13>}, {transform_indices = @transform_1, window_bounds = array<i64: 1024, 1664>}, {pipeline_mode = #tpu.pipeline_mode<synchronous>, transform_indices = @transform_2, window_bounds = array<i64: 13, 1024>}, {pipeline_mode = #tpu.pipeline_mode<synchronous>, transform_indices = @transform_3, window_bounds = array<i64: 1300, 1024>}, {pipeline_mode = #tpu.pipeline_mode<synchronous>, transform_indices = @transform_4, window_bounds = array<i64: 1, 1024>}, {transform_indices = @transform_5, window_bounds = array<i64: 1024, 1024>}, {pipeline_mode = #tpu.pipeline_mode<synchronous>, transform_indices = @transform_6, window_bounds = array<i64: 1, 1024>}, {pipeline_mode = #tpu.pipeline_mode<synchronous>, transform_indices = @transform_7, window_bounds = array<i64: 1, 1024>}]} {
    %eq3A = arith.constant 0 : i32
    %eq3A_0 = arith.cmpi eq, %arg0, %eq3A : i32
    %convert_element_type3A = arith.extui %eq3A_0 : i1 to i32
    %cond3A = arith.constant 0 : i32
    %cond3A_1 = arith.cmpi ne, %convert_element_type3A, %cond3A : i32
    scf.if %cond3A_1 {
      %broadcast_in_dim3A_49 = arith.constant 0.000000e+00 : bf16
      %broadcast_in_dim3A_50 = vector.broadcast %broadcast_in_dim3A_49 : bf16 to vector<1664x1024xbf16>
      %swap3A_51 = arith.constant 0 : index
      %swap3A_52 = arith.constant 0 : index
      %swap3A_53 = vector.load %arg9[%swap3A_51, %swap3A_52] : memref<1664x1024xbf16, #tpu.memory_space<vmem>>, vector<1664x1024xbf16>
      tpu.vector_store %arg9[%swap3A_51, %swap3A_52], %broadcast_in_dim3A_50 {strides = array<i32>} : memref<1664x1024xbf16, #tpu.memory_space<vmem>>, vector<1664x1024xbf16>,
      %get3A_54 = arith.constant 0 : index
      %get3A_55 = arith.constant 0 : index
      %get3A_56 = vector.load %arg4[%get3A_54, %get3A_55] : memref<1300x1024xf32, #tpu.memory_space<vmem>>, vector<50x1024xf32>
      %convert_element_type3A_57 = arith.truncf %get3A_56 : vector<50x1024xf32> to vector<50x1024xbf16>
      %swap3A_58 = arith.constant 0 : index
      %swap3A_59 = arith.constant 0 : index
      %swap3A_60 = vector.load %arg9[%swap3A_58, %swap3A_59] : memref<1664x1024xbf16, #tpu.memory_space<vmem>>, vector<50x1024xbf16>
      tpu.vector_store %arg9[%swap3A_58, %swap3A_59], %convert_element_type3A_57 {strides = array<i32>} : memref<1664x1024xbf16, #tpu.memory_space<vmem>>, vector<50x1024xbf16>,
      %get3A_61 = arith.constant 50 : index
      %get3A_62 = arith.constant 0 : index
      %get3A_63 = vector.load %arg4[%get3A_61, %get3A_62] : memref<1300x1024xf32, #tpu.memory_space<vmem>>, vector<50x1024xf32>
      %convert_element_type3A_64 = arith.truncf %get3A_63 : vector<50x1024xf32> to vector<50x1024xbf16>
      %swap3A_65 = arith.constant 64 : index
      %swap3A_66 = arith.constant 0 : index
      %swap3A_67 = vector.load %arg9[%swap3A_65, %swap3A_66] : memref<1664x1024xbf16, #tpu.memory_space<vmem>>, vector<50x1024xbf16>
      tpu.vector_store %arg9[%swap3A_65, %swap3A_66], %convert_element_type3A_64 {strides = array<i32>} : memref<1664x1024xbf16, #tpu.memory_space<vmem>>, vector<50x1024xbf16>,
      %get3A_68 = arith.constant 100 : index
      %get3A_69 = arith.constant 0 : index
      %get3A_70 = vector.load %arg4[%get3A_68, %get3A_69] : memref<1300x1024xf32, #tpu.memory_space<vmem>>, vector<50x1024xf32>
      %convert_element_type3A_71 = arith.truncf %get3A_70 : vector<50x1024xf32> to vector<50x1024xbf16>
      %swap3A_72 = arith.constant 128 : index
      %swap3A_73 = arith.constant 0 : index
      %swap3A_74 = vector.load %arg9[%swap3A_72, %swap3A_73] : memref<1664x1024xbf16, #tpu.memory_space<vmem>>, vector<50x1024xbf16>
      tpu.vector_store %arg9[%swap3A_72, %swap3A_73], %convert_element_type3A_71 {strides = array<i32>} : memref<1664x1024xbf16, #tpu.memory_space<vmem>>, vector<50x1024xbf16>,
      %get3A_75 = arith.constant 150 : index
      %get3A_76 = arith.constant 0 : index
      %get3A_77 = vector.load %arg4[%get3A_75, %get3A_76] : memref<1300x1024xf32, #tpu.memory_space<vmem>>, vector<50x1024xf32>
      %convert_element_type3A_78 = arith.truncf %get3A_77 : vector<50x1024xf32> to vector<50x1024xbf16>
      %swap3A_79 = arith.constant 192 : index
      %swap3A_80 = arith.constant 0 : index
      %swap3A_81 = vector.load %arg9[%swap3A_79, %swap3A_80] : memref<1664x1024xbf16, #tpu.memory_space<vmem>>, vector<50x1024xbf16>
      tpu.vector_store %arg9[%swap3A_79, %swap3A_80], %convert_element_type3A_78 {strides = array<i32>} : memref<1664x1024xbf16, #tpu.memory_space<vmem>>, vector<50x1024xbf16>,
      %get3A_82 = arith.constant 200 : index
      %get3A_83 = arith.constant 0 : index
      %get3A_84 = vector.load %arg4[%get3A_82, %get3A_83] : memref<1300x1024xf32, #tpu.memory_space<vmem>>, vector<50x1024xf32>
      %convert_element_type3A_85 = arith.truncf %get3A_84 : vector<50x1024xf32> to vector<50x1024xbf16>
      %swap3A_86 = arith.constant 256 : index
      %swap3A_87 = arith.constant 0 : index
      %swap3A_88 = vector.load %arg9[%swap3A_86, %swap3A_87] : memref<1664x1024xbf16, #tpu.memory_space<vmem>>, vector<50x1024xbf16>
      tpu.vector_store %arg9[%swap3A_86, %swap3A_87], %convert_element_type3A_85 {strides = array<i32>} : memref<1664x1024xbf16, #tpu.memory_space<vmem>>, vector<50x1024xbf16>,
      %get3A_89 = arith.constant 250 : index
      %get3A_90 = arith.constant 0 : index
      %get3A_91 = vector.load %arg4[%get3A_89, %get3A_90] : memref<1300x1024xf32, #tpu.memory_space<vmem>>, vector<50x1024xf32>
      %convert_element_type3A_92 = arith.truncf %get3A_91 : vector<50x1024xf32> to vector<50x1024xbf16>
      %swap3A_93 = arith.constant 320 : index
      %swap3A_94 = arith.constant 0 : index
      %swap3A_95 = vector.load %arg9[%swap3A_93, %swap3A_94] : memref<1664x1024xbf16, #tpu.memory_space<vmem>>, vector<50x1024xbf16>
      tpu.vector_store %arg9[%swap3A_93, %swap3A_94], %convert_element_type3A_92 {strides = array<i32>} : memref<1664x1024xbf16, #tpu.memory_space<vmem>>, vector<50x1024xbf16>,
      %get3A_96 = arith.constant 300 : index
      %get3A_97 = arith.constant 0 : index
      %get3A_98 = vector.load %arg4[%get3A_96, %get3A_97] : memref<1300x1024xf32, #tpu.memory_space<vmem>>, vector<50x1024xf32>
      %convert_element_type3A_99 = arith.truncf %get3A_98 : vector<50x1024xf32> to vector<50x1024xbf16>
      %swap3A_100 = arith.constant 384 : index
      %swap3A_101 = arith.constant 0 : index
      %swap3A_102 = vector.load %arg9[%swap3A_100, %swap3A_101] : memref<1664x1024xbf16, #tpu.memory_space<vmem>>, vector<50x1024xbf16>
      tpu.vector_store %arg9[%swap3A_100, %swap3A_101], %convert_element_type3A_99 {strides = array<i32>} : memref<1664x1024xbf16, #tpu.memory_space<vmem>>, vector<50x1024xbf16>,
      %get3A_103 = arith.constant 350 : index
      %get3A_104 = arith.constant 0 : index
      %get3A_105 = vector.load %arg4[%get3A_103, %get3A_104] : memref<1300x1024xf32, #tpu.memory_space<vmem>>, vector<50x1024xf32>
      %convert_element_type3A_106 = arith.truncf %get3A_105 : vector<50x1024xf32> to vector<50x1024xbf16>
      %swap3A_107 = arith.constant 448 : index
      %swap3A_108 = arith.constant 0 : index
      %swap3A_109 = vector.load %arg9[%swap3A_107, %swap3A_108] : memref<1664x1024xbf16, #tpu.memory_space<vmem>>, vector<50x1024xbf16>
      tpu.vector_store %arg9[%swap3A_107, %swap3A_108], %convert_element_type3A_106 {strides = array<i32>} : memref<1664x1024xbf16, #tpu.memory_space<vmem>>, vector<50x1024xbf16>,
      %get3A_110 = arith.constant 400 : index
      %get3A_111 = arith.constant 0 : index
      %get3A_112 = vector.load %arg4[%get3A_110, %get3A_111] : memref<1300x1024xf32, #tpu.memory_space<vmem>>, vector<50x1024xf32>
      %convert_element_type3A_113 = arith.truncf %get3A_112 : vector<50x1024xf32> to vector<50x1024xbf16>
      %swap3A_114 = arith.constant 512 : index
      %swap3A_115 = arith.constant 0 : index
      %swap3A_116 = vector.load %arg9[%swap3A_114, %swap3A_115] : memref<1664x1024xbf16, #tpu.memory_space<vmem>>, vector<50x1024xbf16>
      tpu.vector_store %arg9[%swap3A_114, %swap3A_115], %convert_element_type3A_113 {strides = array<i32>} : memref<1664x1024xbf16, #tpu.memory_space<vmem>>, vector<50x1024xbf16>,
      %get3A_117 = arith.constant 450 : index
      %get3A_118 = arith.constant 0 : index
      %get3A_119 = vector.load %arg4[%get3A_117, %get3A_118] : memref<1300x1024xf32, #tpu.memory_space<vmem>>, vector<50x1024xf32>
      %convert_element_type3A_120 = arith.truncf %get3A_119 : vector<50x1024xf32> to vector<50x1024xbf16>
      %swap3A_121 = arith.constant 576 : index
      %swap3A_122 = arith.constant 0 : index
      %swap3A_123 = vector.load %arg9[%swap3A_121, %swap3A_122] : memref<1664x1024xbf16, #tpu.memory_space<vmem>>, vector<50x1024xbf16>
      tpu.vector_store %arg9[%swap3A_121, %swap3A_122], %convert_element_type3A_120 {strides = array<i32>} : memref<1664x1024xbf16, #tpu.memory_space<vmem>>, vector<50x1024xbf16>,
      %get3A_124 = arith.constant 500 : index
      %get3A_125 = arith.constant 0 : index
      %get3A_126 = vector.load %arg4[%get3A_124, %get3A_125] : memref<1300x1024xf32, #tpu.memory_space<vmem>>, vector<50x1024xf32>
      %convert_element_type3A_127 = arith.truncf %get3A_126 : vector<50x1024xf32> to vector<50x1024xbf16>
      %swap3A_128 = arith.constant 640 : index
      %swap3A_129 = arith.constant 0 : index
      %swap3A_130 = vector.load %arg9[%swap3A_128, %swap3A_129] : memref<1664x1024xbf16, #tpu.memory_space<vmem>>, vector<50x1024xbf16>
      tpu.vector_store %arg9[%swap3A_128, %swap3A_129], %convert_element_type3A_127 {strides = array<i32>} : memref<1664x1024xbf16, #tpu.memory_space<vmem>>, vector<50x1024xbf16>,
      %get3A_131 = arith.constant 550 : index
      %get3A_132 = arith.constant 0 : index
      %get3A_133 = vector.load %arg4[%get3A_131, %get3A_132] : memref<1300x1024xf32, #tpu.memory_space<vmem>>, vector<50x1024xf32>
      %convert_element_type3A_134 = arith.truncf %get3A_133 : vector<50x1024xf32> to vector<50x1024xbf16>
      %swap3A_135 = arith.constant 704 : index
      %swap3A_136 = arith.constant 0 : index
      %swap3A_137 = vector.load %arg9[%swap3A_135, %swap3A_136] : memref<1664x1024xbf16, #tpu.memory_space<vmem>>, vector<50x1024xbf16>
      tpu.vector_store %arg9[%swap3A_135, %swap3A_136], %convert_element_type3A_134 {strides = array<i32>} : memref<1664x1024xbf16, #tpu.memory_space<vmem>>, vector<50x1024xbf16>,
      %get3A_138 = arith.constant 600 : index
      %get3A_139 = arith.constant 0 : index
      %get3A_140 = vector.load %arg4[%get3A_138, %get3A_139] : memref<1300x1024xf32, #tpu.memory_space<vmem>>, vector<50x1024xf32>
      %convert_element_type3A_141 = arith.truncf %get3A_140 : vector<50x1024xf32> to vector<50x1024xbf16>
      %swap3A_142 = arith.constant 768 : index
      %swap3A_143 = arith.constant 0 : index
      %swap3A_144 = vector.load %arg9[%swap3A_142, %swap3A_143] : memref<1664x1024xbf16, #tpu.memory_space<vmem>>, vector<50x1024xbf16>
      tpu.vector_store %arg9[%swap3A_142, %swap3A_143], %convert_element_type3A_141 {strides = array<i32>} : memref<1664x1024xbf16, #tpu.memory_space<vmem>>, vector<50x1024xbf16>,
      %get3A_145 = arith.constant 650 : index
      %get3A_146 = arith.constant 0 : index
      %get3A_147 = vector.load %arg4[%get3A_145, %get3A_146] : memref<1300x1024xf32, #tpu.memory_space<vmem>>, vector<50x1024xf32>
      %convert_element_type3A_148 = arith.truncf %get3A_147 : vector<50x1024xf32> to vector<50x1024xbf16>
      %swap3A_149 = arith.constant 832 : index
      %swap3A_150 = arith.constant 0 : index
      %swap3A_151 = vector.load %arg9[%swap3A_149, %swap3A_150] : memref<1664x1024xbf16, #tpu.memory_space<vmem>>, vector<50x1024xbf16>
      tpu.vector_store %arg9[%swap3A_149, %swap3A_150], %convert_element_type3A_148 {strides = array<i32>} : memref<1664x1024xbf16, #tpu.memory_space<vmem>>, vector<50x1024xbf16>,
      %get3A_152 = arith.constant 700 : index
      %get3A_153 = arith.constant 0 : index
      %get3A_154 = vector.load %arg4[%get3A_152, %get3A_153] : memref<1300x1024xf32, #tpu.memory_space<vmem>>, vector<50x1024xf32>
      %convert_element_type3A_155 = arith.truncf %get3A_154 : vector<50x1024xf32> to vector<50x1024xbf16>
      %swap3A_156 = arith.constant 896 : index
      %swap3A_157 = arith.constant 0 : index
      %swap3A_158 = vector.load %arg9[%swap3A_156, %swap3A_157] : memref<1664x1024xbf16, #tpu.memory_space<vmem>>, vector<50x1024xbf16>
      tpu.vector_store %arg9[%swap3A_156, %swap3A_157], %convert_element_type3A_155 {strides = array<i32>} : memref<1664x1024xbf16, #tpu.memory_space<vmem>>, vector<50x1024xbf16>,
      %get3A_159 = arith.constant 750 : index
      %get3A_160 = arith.constant 0 : index
      %get3A_161 = vector.load %arg4[%get3A_159, %get3A_160] : memref<1300x1024xf32, #tpu.memory_space<vmem>>, vector<50x1024xf32>
      %convert_element_type3A_162 = arith.truncf %get3A_161 : vector<50x1024xf32> to vector<50x1024xbf16>
      %swap3A_163 = arith.constant 960 : index
      %swap3A_164 = arith.constant 0 : index
      %swap3A_165 = vector.load %arg9[%swap3A_163, %swap3A_164] : memref<1664x1024xbf16, #tpu.memory_space<vmem>>, vector<50x1024xbf16>
      tpu.vector_store %arg9[%swap3A_163, %swap3A_164], %convert_element_type3A_162 {strides = array<i32>} : memref<1664x1024xbf16, #tpu.memory_space<vmem>>, vector<50x1024xbf16>,
      %get3A_166 = arith.constant 800 : index
      %get3A_167 = arith.constant 0 : index
      %get3A_168 = vector.load %arg4[%get3A_166, %get3A_167] : memref<1300x1024xf32, #tpu.memory_space<vmem>>, vector<50x1024xf32>
      %convert_element_type3A_169 = arith.truncf %get3A_168 : vector<50x1024xf32> to vector<50x1024xbf16>
      %swap3A_170 = arith.constant 1024 : index
      %swap3A_171 = arith.constant 0 : index
      %swap3A_172 = vector.load %arg9[%swap3A_170, %swap3A_171] : memref<1664x1024xbf16, #tpu.memory_space<vmem>>, vector<50x1024xbf16>
      tpu.vector_store %arg9[%swap3A_170, %swap3A_171], %convert_element_type3A_169 {strides = array<i32>} : memref<1664x1024xbf16, #tpu.memory_space<vmem>>, vector<50x1024xbf16>,
      %get3A_173 = arith.constant 850 : index
      %get3A_174 = arith.constant 0 : index
      %get3A_175 = vector.load %arg4[%get3A_173, %get3A_174] : memref<1300x1024xf32, #tpu.memory_space<vmem>>, vector<50x1024xf32>
      %convert_element_type3A_176 = arith.truncf %get3A_175 : vector<50x1024xf32> to vector<50x1024xbf16>
      %swap3A_177 = arith.constant 1088 : index
      %swap3A_178 = arith.constant 0 : index
      %swap3A_179 = vector.load %arg9[%swap3A_177, %swap3A_178] : memref<1664x1024xbf16, #tpu.memory_space<vmem>>, vector<50x1024xbf16>
      tpu.vector_store %arg9[%swap3A_177, %swap3A_178], %convert_element_type3A_176 {strides = array<i32>} : memref<1664x1024xbf16, #tpu.memory_space<vmem>>, vector<50x1024xbf16>,
      %get3A_180 = arith.constant 900 : index
      %get3A_181 = arith.constant 0 : index
      %get3A_182 = vector.load %arg4[%get3A_180, %get3A_181] : memref<1300x1024xf32, #tpu.memory_space<vmem>>, vector<50x1024xf32>
      %convert_element_type3A_183 = arith.truncf %get3A_182 : vector<50x1024xf32> to vector<50x1024xbf16>
      %swap3A_184 = arith.constant 1152 : index
      %swap3A_185 = arith.constant 0 : index
      %swap3A_186 = vector.load %arg9[%swap3A_184, %swap3A_185] : memref<1664x1024xbf16, #tpu.memory_space<vmem>>, vector<50x1024xbf16>
      tpu.vector_store %arg9[%swap3A_184, %swap3A_185], %convert_element_type3A_183 {strides = array<i32>} : memref<1664x1024xbf16, #tpu.memory_space<vmem>>, vector<50x1024xbf16>,
      %get3A_187 = arith.constant 950 : index
      %get3A_188 = arith.constant 0 : index
      %get3A_189 = vector.load %arg4[%get3A_187, %get3A_188] : memref<1300x1024xf32, #tpu.memory_space<vmem>>, vector<50x1024xf32>
      %convert_element_type3A_190 = arith.truncf %get3A_189 : vector<50x1024xf32> to vector<50x1024xbf16>
      %swap3A_191 = arith.constant 1216 : index
      %swap3A_192 = arith.constant 0 : index
      %swap3A_193 = vector.load %arg9[%swap3A_191, %swap3A_192] : memref<1664x1024xbf16, #tpu.memory_space<vmem>>, vector<50x1024xbf16>
      tpu.vector_store %arg9[%swap3A_191, %swap3A_192], %convert_element_type3A_190 {strides = array<i32>} : memref<1664x1024xbf16, #tpu.memory_space<vmem>>, vector<50x1024xbf16>,
      %get3A_194 = arith.constant 1000 : index
      %get3A_195 = arith.constant 0 : index
      %get3A_196 = vector.load %arg4[%get3A_194, %get3A_195] : memref<1300x1024xf32, #tpu.memory_space<vmem>>, vector<50x1024xf32>
      %convert_element_type3A_197 = arith.truncf %get3A_196 : vector<50x1024xf32> to vector<50x1024xbf16>
      %swap3A_198 = arith.constant 1280 : index
      %swap3A_199 = arith.constant 0 : index
      %swap3A_200 = vector.load %arg9[%swap3A_198, %swap3A_199] : memref<1664x1024xbf16, #tpu.memory_space<vmem>>, vector<50x1024xbf16>
      tpu.vector_store %arg9[%swap3A_198, %swap3A_199], %convert_element_type3A_197 {strides = array<i32>} : memref<1664x1024xbf16, #tpu.memory_space<vmem>>, vector<50x1024xbf16>,
      %get3A_201 = arith.constant 1050 : index
      %get3A_202 = arith.constant 0 : index
      %get3A_203 = vector.load %arg4[%get3A_201, %get3A_202] : memref<1300x1024xf32, #tpu.memory_space<vmem>>, vector<50x1024xf32>
      %convert_element_type3A_204 = arith.truncf %get3A_203 : vector<50x1024xf32> to vector<50x1024xbf16>
      %swap3A_205 = arith.constant 1344 : index
      %swap3A_206 = arith.constant 0 : index
      %swap3A_207 = vector.load %arg9[%swap3A_205, %swap3A_206] : memref<1664x1024xbf16, #tpu.memory_space<vmem>>, vector<50x1024xbf16>
      tpu.vector_store %arg9[%swap3A_205, %swap3A_206], %convert_element_type3A_204 {strides = array<i32>} : memref<1664x1024xbf16, #tpu.memory_space<vmem>>, vector<50x1024xbf16>,
      %get3A_208 = arith.constant 1100 : index
      %get3A_209 = arith.constant 0 : index
      %get3A_210 = vector.load %arg4[%get3A_208, %get3A_209] : memref<1300x1024xf32, #tpu.memory_space<vmem>>, vector<50x1024xf32>
      %convert_element_type3A_211 = arith.truncf %get3A_210 : vector<50x1024xf32> to vector<50x1024xbf16>
      %swap3A_212 = arith.constant 1408 : index
      %swap3A_213 = arith.constant 0 : index
      %swap3A_214 = vector.load %arg9[%swap3A_212, %swap3A_213] : memref<1664x1024xbf16, #tpu.memory_space<vmem>>, vector<50x1024xbf16>
      tpu.vector_store %arg9[%swap3A_212, %swap3A_213], %convert_element_type3A_211 {strides = array<i32>} : memref<1664x1024xbf16, #tpu.memory_space<vmem>>, vector<50x1024xbf16>,
      %get3A_215 = arith.constant 1150 : index
      %get3A_216 = arith.constant 0 : index
      %get3A_217 = vector.load %arg4[%get3A_215, %get3A_216] : memref<1300x1024xf32, #tpu.memory_space<vmem>>, vector<50x1024xf32>
      %convert_element_type3A_218 = arith.truncf %get3A_217 : vector<50x1024xf32> to vector<50x1024xbf16>
      %swap3A_219 = arith.constant 1472 : index
      %swap3A_220 = arith.constant 0 : index
      %swap3A_221 = vector.load %arg9[%swap3A_219, %swap3A_220] : memref<1664x1024xbf16, #tpu.memory_space<vmem>>, vector<50x1024xbf16>
      tpu.vector_store %arg9[%swap3A_219, %swap3A_220], %convert_element_type3A_218 {strides = array<i32>} : memref<1664x1024xbf16, #tpu.memory_space<vmem>>, vector<50x1024xbf16>,
      %get3A_222 = arith.constant 1200 : index
      %get3A_223 = arith.constant 0 : index
      %get3A_224 = vector.load %arg4[%get3A_222, %get3A_223] : memref<1300x1024xf32, #tpu.memory_space<vmem>>, vector<50x1024xf32>
      %convert_element_type3A_225 = arith.truncf %get3A_224 : vector<50x1024xf32> to vector<50x1024xbf16>
      %swap3A_226 = arith.constant 1536 : index
      %swap3A_227 = arith.constant 0 : index
      %swap3A_228 = vector.load %arg9[%swap3A_226, %swap3A_227] : memref<1664x1024xbf16, #tpu.memory_space<vmem>>, vector<50x1024xbf16>
      tpu.vector_store %arg9[%swap3A_226, %swap3A_227], %convert_element_type3A_225 {strides = array<i32>} : memref<1664x1024xbf16, #tpu.memory_space<vmem>>, vector<50x1024xbf16>,
      %get3A_229 = arith.constant 1250 : index
      %get3A_230 = arith.constant 0 : index
      %get3A_231 = vector.load %arg4[%get3A_229, %get3A_230] : memref<1300x1024xf32, #tpu.memory_space<vmem>>, vector<50x1024xf32>
      %convert_element_type3A_232 = arith.truncf %get3A_231 : vector<50x1024xf32> to vector<50x1024xbf16>
      %swap3A_233 = arith.constant 1600 : index
      %swap3A_234 = arith.constant 0 : index
      %swap3A_235 = vector.load %arg9[%swap3A_233, %swap3A_234] : memref<1664x1024xbf16, #tpu.memory_space<vmem>>, vector<50x1024xbf16>
      tpu.vector_store %arg9[%swap3A_233, %swap3A_234], %convert_element_type3A_232 {strides = array<i32>} : memref<1664x1024xbf16, #tpu.memory_space<vmem>>, vector<50x1024xbf16>,
    } else {
    }
    %get3A = arith.constant 0 : index
    %get3A_2 = arith.constant 0 : index
    %get3A_3 = vector.load %arg1[%get3A, %get3A_2] : memref<1024x13xf32, #tpu.memory_space<vmem>>, vector<1024x13xf32>
    %convert_element_type3A_4 = arith.truncf %get3A_3 : vector<1024x13xf32> to vector<1024x13xbf16>
    %get3A_5 = arith.constant 0 : index
    %get3A_6 = arith.constant 0 : index
    %get3A_7 = vector.load %arg3[%get3A_5, %get3A_6] : memref<13x1024xf32, #tpu.memory_space<vmem>>, vector<13x1024xf32>
    %convert_element_type3A_8 = arith.truncf %get3A_7 : vector<13x1024xf32> to vector<13x1024xbf16>
    %dot_general3A = arith.constant dense<0.000000e+00> : vector<1024x1024xf32>
    %dot_general3A_9 = tpu.matmul %convert_element_type3A_4, %convert_element_type3A_8, %dot_general3A {dimension_numbers = #tpu.dot_dimension_numbers<[1], [0], [0], [1], [0, 0, 1, 1], [], []>, transpose_lhs_hint = false} : vector<1024x13xbf16>, vector<13x1024xbf16>, vector<1024x1024xf32> -> vector<1024x1024xf32>
    %get3A_10 = arith.constant 0 : index
    %get3A_11 = arith.constant 0 : index
    %get3A_12 = vector.load %arg2[%get3A_10, %get3A_11] : memref<1024x1664xf32, #tpu.memory_space<vmem>>, vector<1024x1664xf32>
    %convert_element_type3A_13 = arith.truncf %get3A_12 : vector<1024x1664xf32> to vector<1024x1664xbf16>
    %get3A_14 = arith.constant 0 : index
    %get3A_15 = arith.constant 0 : index
    %get3A_16 = vector.load %arg9[%get3A_14, %get3A_15] : memref<1664x1024xbf16, #tpu.memory_space<vmem>>, vector<1664x1024xbf16>
    %dot_general3A_17 = arith.constant dense<0.000000e+00> : vector<1024x1024xf32>
    %dot_general3A_18 = tpu.matmul %convert_element_type3A_13, %get3A_16, %dot_general3A_17 {dimension_numbers = #tpu.dot_dimension_numbers<[1], [0], [0], [1], [0, 0, 1, 1], [], []>, transpose_lhs_hint = false} : vector<1024x1664xbf16>, vector<1664x1024xbf16>, vector<1024x1024xf32> -> vector<1024x1024xf32>
    %add3A = arith.addf %dot_general3A_9, %dot_general3A_18 : vector<1024x1024xf32>
    %get3A_19 = arith.constant 0 : index
    %get3A_20 = arith.constant 0 : index
    %get3A_21 = vector.load %arg5[%get3A_19, %get3A_20] : memref<1x1024xf32, #tpu.memory_space<vmem>>, vector<1x1024xf32>
    %add3A_22 = vector.broadcast %get3A_21 : vector<1x1024xf32> to vector<1024x1024xf32>
    %add3A_23 = arith.addf %add3A, %add3A_22 : vector<1024x1024xf32>
    %swap3A = arith.constant 0 : index
    %swap3A_24 = arith.constant 0 : index
    %swap3A_25 = vector.load %arg6[%swap3A, %swap3A_24] : memref<1024x1024xf32, #tpu.memory_space<vmem>>, vector<1024x1024xf32>
    tpu.vector_store %arg6[%swap3A, %swap3A_24], %add3A_23 {strides = array<i32>} : memref<1024x1024xf32, #tpu.memory_space<vmem>>, vector<1024x1024xf32>,
    %eq3A_26 = arith.constant 0 : i32
    %eq3A_27 = arith.cmpi eq, %arg0, %eq3A_26 : i32
    %convert_element_type3A_28 = arith.extui %eq3A_27 : i1 to i32
    %cond3A_29 = arith.constant 0 : i32
    %cond3A_30 = arith.cmpi ne, %convert_element_type3A_28, %cond3A_29 : i32
    scf.if %cond3A_30 {
      %broadcast_in_dim3A_49 = arith.constant 0.000000e+00 : f32
      %broadcast_in_dim3A_50 = vector.broadcast %broadcast_in_dim3A_49 : f32 to vector<1x1024xf32>
      %swap3A_51 = arith.constant 0 : index
      %swap3A_52 = arith.constant 0 : index
      %swap3A_53 = vector.load %arg7[%swap3A_51, %swap3A_52] : memref<1x1024xf32, #tpu.memory_space<vmem>>, vector<1x1024xf32>
      tpu.vector_store %arg7[%swap3A_51, %swap3A_52], %broadcast_in_dim3A_50 {strides = array<i32>} : memref<1x1024xf32, #tpu.memory_space<vmem>>, vector<1x1024xf32>,
      %broadcast_in_dim3A_54 = arith.constant 0.000000e+00 : f32
      %broadcast_in_dim3A_55 = vector.broadcast %broadcast_in_dim3A_54 : f32 to vector<1x1024xf32>
      %swap3A_56 = arith.constant 0 : index
      %swap3A_57 = arith.constant 0 : index
      %swap3A_58 = vector.load %arg8[%swap3A_56, %swap3A_57] : memref<1x1024xf32, #tpu.memory_space<vmem>>, vector<1x1024xf32>
      tpu.vector_store %arg8[%swap3A_56, %swap3A_57], %broadcast_in_dim3A_55 {strides = array<i32>} : memref<1x1024xf32, #tpu.memory_space<vmem>>, vector<1x1024xf32>,
    } else {
    }
    %get3A_31 = arith.constant 0 : index
    %get3A_32 = arith.constant 0 : index
    %get3A_33 = vector.load %arg7[%get3A_31, %get3A_32] : memref<1x1024xf32, #tpu.memory_space<vmem>>, vector<1x1024xf32>
    %reduce_sum3A = arith.constant dense<0.000000e+00> : vector<1024xf32>
    %reduce_sum3A_34 = vector.multi_reduction <add>, %add3A_23, %reduce_sum3A [0] : vector<1024x1024xf32> to vector<1024xf32>
    %broadcast_in_dim3A = vector.shape_cast %reduce_sum3A_34 : vector<1024xf32> to vector<1x1024xf32>
    %add3A_35 = arith.addf %get3A_33, %broadcast_in_dim3A : vector<1x1024xf32>
    %swap3A_36 = arith.constant 0 : index
    %swap3A_37 = arith.constant 0 : index
    %swap3A_38 = vector.load %arg7[%swap3A_36, %swap3A_37] : memref<1x1024xf32, #tpu.memory_space<vmem>>, vector<1x1024xf32>
    tpu.vector_store %arg7[%swap3A_36, %swap3A_37], %add3A_35 {strides = array<i32>} : memref<1x1024xf32, #tpu.memory_space<vmem>>, vector<1x1024xf32>,
    %get3A_39 = arith.constant 0 : index
    %get3A_40 = arith.constant 0 : index
    %get3A_41 = vector.load %arg8[%get3A_39, %get3A_40] : memref<1x1024xf32, #tpu.memory_space<vmem>>, vector<1x1024xf32>
    %mul3A = arith.mulf %add3A_23, %add3A_23 : vector<1024x1024xf32>
    %reduce_sum3A_42 = arith.constant dense<0.000000e+00> : vector<1024xf32>
    %reduce_sum3A_43 = vector.multi_reduction <add>, %mul3A, %reduce_sum3A_42 [0] : vector<1024x1024xf32> to vector<1024xf32>
    %broadcast_in_dim3A_44 = vector.shape_cast %reduce_sum3A_43 : vector<1024xf32> to vector<1x1024xf32>
    %add3A_45 = arith.addf %get3A_41, %broadcast_in_dim3A_44 : vector<1x1024xf32>
    %swap3A_46 = arith.constant 0 : index
    %swap3A_47 = arith.constant 0 : index
    %swap3A_48 = vector.load %arg8[%swap3A_46, %swap3A_47] : memref<1x1024xf32, #tpu.memory_space<vmem>>, vector<1x1024xf32>
    tpu.vector_store %arg8[%swap3A_46, %swap3A_47], %add3A_45 {strides = array<i32>} : memref<1x1024xf32, #tpu.memory_space<vmem>>, vector<1x1024xf32>,
    return
  }
  func.func @transform_0(%arg0: i32) -> (i32, i32) {
    %c0_i32 = arith.constant 0 : i32
    %c0_i32_0 = arith.constant 0 : i32
    return %arg0, %c0_i32 : i32, i32
  }
  func.func @transform_1(%arg0: i32) -> (i32, i32) {
    %c0_i32 = arith.constant 0 : i32
    %c0_i32_0 = arith.constant 0 : i32
    return %arg0, %c0_i32 : i32, i32
  }
  func.func @transform_2(%arg0: i32) -> (i32, i32) {
    %c0_i32 = arith.constant 0 : i32
    %c0_i32_0 = arith.constant 0 : i32
    %c0_i32_1 = arith.constant 0 : i32
    return %c0_i32, %c0_i32_0 : i32, i32
  }
  func.func @transform_3(%arg0: i32) -> (i32, i32) {
    %c0_i32 = arith.constant 0 : i32
    %c0_i32_0 = arith.constant 0 : i32
    %c0_i32_1 = arith.constant 0 : i32
    return %c0_i32, %c0_i32_0 : i32, i32
  }
  func.func @transform_4(%arg0: i32) -> (i32, i32) {
    %c0_i32 = arith.constant 0 : i32
    %c0_i32_0 = arith.constant 0 : i32
    %c0_i32_1 = arith.constant 0 : i32
    return %c0_i32, %c0_i32_0 : i32, i32
  }
  func.func @transform_5(%arg0: i32) -> (i32, i32) {
    %c0_i32 = arith.constant 0 : i32
    %c0_i32_0 = arith.constant 0 : i32
    return %arg0, %c0_i32 : i32, i32
  }
  func.func @transform_6(%arg0: i32) -> (i32, i32) {
    %c0_i32 = arith.constant 0 : i32
    %c0_i32_0 = arith.constant 0 : i32
    %c0_i32_1 = arith.constant 0 : i32
    return %c0_i32, %c0_i32_0 : i32, i32
  }
  func.func @transform_7(%arg0: i32) -> (i32, i32) {
    %c0_i32 = arith.constant 0 : i32
    %c0_i32_0 = arith.constant 0 : i32
    %c0_i32_1 = arith.constant 0 : i32
    return %c0_i32, %c0_i32_0 : i32, i32
  }
}

module attributes {stable_mosaic.version = 14 : i64} {
  func.func @_mid_body(%arg0: i32, %arg1: memref<1024x1024xf32, #tpu.memory_space<vmem>>, %arg2: memref<1x1024xf32, #tpu.memory_space<vmem>>, %arg3: memref<1x1024xf32, #tpu.memory_space<vmem>>, %arg4: memref<1x1024xf32, #tpu.memory_space<vmem>>, %arg5: memref<1x1024xf32, #tpu.memory_space<vmem>>, %arg6: memref<1024x512xf32, #tpu.memory_space<vmem>>, %arg7: memref<1x512xf32, #tpu.memory_space<vmem>>, %arg8: memref<1024x512xf32, #tpu.memory_space<vmem>>, %arg9: memref<1x512xf32, #tpu.memory_space<vmem>>, %arg10: memref<1x512xf32, #tpu.memory_space<vmem>>) attributes {dimension_semantics = [#tpu.dimension_semantics<arbitrary>], iteration_bounds = array<i64: 4>, scalar_prefetch = 0 : i64, scratch_operands = 0 : i64, tpu.core_type = #tpu.core_type<tc>, window_params = [{transform_indices = @transform_0, window_bounds = array<i64: 1024, 1024>}, {pipeline_mode = #tpu.pipeline_mode<synchronous>, transform_indices = @transform_1, window_bounds = array<i64: 1, 1024>}, {pipeline_mode = #tpu.pipeline_mode<synchronous>, transform_indices = @transform_2, window_bounds = array<i64: 1, 1024>}, {pipeline_mode = #tpu.pipeline_mode<synchronous>, transform_indices = @transform_3, window_bounds = array<i64: 1, 1024>}, {pipeline_mode = #tpu.pipeline_mode<synchronous>, transform_indices = @transform_4, window_bounds = array<i64: 1, 1024>}, {pipeline_mode = #tpu.pipeline_mode<synchronous>, transform_indices = @transform_5, window_bounds = array<i64: 1024, 512>}, {pipeline_mode = #tpu.pipeline_mode<synchronous>, transform_indices = @transform_6, window_bounds = array<i64: 1, 512>}, {transform_indices = @transform_7, window_bounds = array<i64: 1024, 512>}, {pipeline_mode = #tpu.pipeline_mode<synchronous>, transform_indices = @transform_8, window_bounds = array<i64: 1, 512>}, {pipeline_mode = #tpu.pipeline_mode<synchronous>, transform_indices = @transform_9, window_bounds = array<i64: 1, 512>}]} {
    %get3A = arith.constant 0 : index
    %get3A_0 = arith.constant 0 : index
    %get3A_1 = vector.load %arg2[%get3A, %get3A_0] : memref<1x1024xf32, #tpu.memory_space<vmem>>, vector<1x1024xf32>
    %mul3A = arith.constant 2.44140625E-4 : f32
    %mul3A_2 = vector.broadcast %mul3A : f32 to vector<1x1024xf32>
    %mul3A_3 = arith.mulf %get3A_1, %mul3A_2 : vector<1x1024xf32>
    %get3A_4 = arith.constant 0 : index
    %get3A_5 = arith.constant 0 : index
    %get3A_6 = vector.load %arg3[%get3A_4, %get3A_5] : memref<1x1024xf32, #tpu.memory_space<vmem>>, vector<1x1024xf32>
    %mul3A_7 = arith.constant 2.44140625E-4 : f32
    %mul3A_8 = vector.broadcast %mul3A_7 : f32 to vector<1x1024xf32>
    %mul3A_9 = arith.mulf %get3A_6, %mul3A_8 : vector<1x1024xf32>
    %mul3A_10 = arith.mulf %mul3A_3, %mul3A_3 : vector<1x1024xf32>
    %sub3A = arith.subf %mul3A_9, %mul3A_10 : vector<1x1024xf32>
    %get3A_11 = arith.constant 0 : index
    %get3A_12 = arith.constant 0 : index
    %get3A_13 = vector.load %arg4[%get3A_11, %get3A_12] : memref<1x1024xf32, #tpu.memory_space<vmem>>, vector<1x1024xf32>
    %add3A = arith.constant 9.99999974E-6 : f32
    %add3A_14 = vector.broadcast %add3A : f32 to vector<1x1024xf32>
    %add3A_15 = arith.addf %sub3A, %add3A_14 : vector<1x1024xf32>
    %rsqrt3A = math.rsqrt %add3A_15 : vector<1x1024xf32>
    %mul3A_16 = arith.mulf %get3A_13, %rsqrt3A : vector<1x1024xf32>
    %get3A_17 = arith.constant 0 : index
    %get3A_18 = arith.constant 0 : index
    %get3A_19 = vector.load %arg5[%get3A_17, %get3A_18] : memref<1x1024xf32, #tpu.memory_space<vmem>>, vector<1x1024xf32>
    %mul3A_20 = arith.mulf %mul3A_3, %mul3A_16 : vector<1x1024xf32>
    %sub3A_21 = arith.subf %get3A_19, %mul3A_20 : vector<1x1024xf32>
    %get3A_22 = arith.constant 0 : index
    %get3A_23 = arith.constant 0 : index
    %get3A_24 = vector.load %arg1[%get3A_22, %get3A_23] : memref<1024x1024xf32, #tpu.memory_space<vmem>>, vector<1024x1024xf32>
    %mul3A_25 = vector.broadcast %mul3A_16 : vector<1x1024xf32> to vector<1024x1024xf32>
    %mul3A_26 = arith.mulf %get3A_24, %mul3A_25 : vector<1024x1024xf32>
    %add3A_27 = vector.broadcast %sub3A_21 : vector<1x1024xf32> to vector<1024x1024xf32>
    %add3A_28 = arith.addf %mul3A_26, %add3A_27 : vector<1024x1024xf32>
    %max3A = arith.constant 0.000000e+00 : f32
    %max3A_29 = vector.broadcast %max3A : f32 to vector<1024x1024xf32>
    %max3A_30 = arith.maximumf %add3A_28, %max3A_29 : vector<1024x1024xf32>
    %convert_element_type3A = arith.truncf %max3A_30 : vector<1024x1024xf32> to vector<1024x1024xbf16>
    %get3A_31 = arith.constant 0 : index
    %get3A_32 = arith.constant 0 : index
    %get3A_33 = vector.load %arg6[%get3A_31, %get3A_32] : memref<1024x512xf32, #tpu.memory_space<vmem>>, vector<1024x512xf32>
    %convert_element_type3A_34 = arith.truncf %get3A_33 : vector<1024x512xf32> to vector<1024x512xbf16>
    %dot_general3A = arith.constant dense<0.000000e+00> : vector<1024x512xf32>
    %dot_general3A_35 = tpu.matmul %convert_element_type3A, %convert_element_type3A_34, %dot_general3A {dimension_numbers = #tpu.dot_dimension_numbers<[1], [0], [0], [1], [0, 0, 1, 1], [], []>, transpose_lhs_hint = false} : vector<1024x1024xbf16>, vector<1024x512xbf16>, vector<1024x512xf32> -> vector<1024x512xf32>
    %get3A_36 = arith.constant 0 : index
    %get3A_37 = arith.constant 0 : index
    %get3A_38 = vector.load %arg7[%get3A_36, %get3A_37] : memref<1x512xf32, #tpu.memory_space<vmem>>, vector<1x512xf32>
    %add3A_39 = vector.broadcast %get3A_38 : vector<1x512xf32> to vector<1024x512xf32>
    %add3A_40 = arith.addf %dot_general3A_35, %add3A_39 : vector<1024x512xf32>
    %swap3A = arith.constant 0 : index
    %swap3A_41 = arith.constant 0 : index
    %swap3A_42 = vector.load %arg8[%swap3A, %swap3A_41] : memref<1024x512xf32, #tpu.memory_space<vmem>>, vector<1024x512xf32>
    tpu.vector_store %arg8[%swap3A, %swap3A_41], %add3A_40 {strides = array<i32>} : memref<1024x512xf32, #tpu.memory_space<vmem>>, vector<1024x512xf32>,
    %eq3A = arith.constant 0 : i32
    %eq3A_43 = arith.cmpi eq, %arg0, %eq3A : i32
    %convert_element_type3A_44 = arith.extui %eq3A_43 : i1 to i32
    %cond3A = arith.constant 0 : i32
    %cond3A_45 = arith.cmpi ne, %convert_element_type3A_44, %cond3A : i32
    scf.if %cond3A_45 {
      %broadcast_in_dim3A_65 = arith.constant 0.000000e+00 : f32
      %broadcast_in_dim3A_66 = vector.broadcast %broadcast_in_dim3A_65 : f32 to vector<1x512xf32>
      %swap3A_67 = arith.constant 0 : index
      %swap3A_68 = arith.constant 0 : index
      %swap3A_69 = vector.load %arg9[%swap3A_67, %swap3A_68] : memref<1x512xf32, #tpu.memory_space<vmem>>, vector<1x512xf32>
      tpu.vector_store %arg9[%swap3A_67, %swap3A_68], %broadcast_in_dim3A_66 {strides = array<i32>} : memref<1x512xf32, #tpu.memory_space<vmem>>, vector<1x512xf32>,
      %broadcast_in_dim3A_70 = arith.constant 0.000000e+00 : f32
      %broadcast_in_dim3A_71 = vector.broadcast %broadcast_in_dim3A_70 : f32 to vector<1x512xf32>
      %swap3A_72 = arith.constant 0 : index
      %swap3A_73 = arith.constant 0 : index
      %swap3A_74 = vector.load %arg10[%swap3A_72, %swap3A_73] : memref<1x512xf32, #tpu.memory_space<vmem>>, vector<1x512xf32>
      tpu.vector_store %arg10[%swap3A_72, %swap3A_73], %broadcast_in_dim3A_71 {strides = array<i32>} : memref<1x512xf32, #tpu.memory_space<vmem>>, vector<1x512xf32>,
    } else {
    }
    %get3A_46 = arith.constant 0 : index
    %get3A_47 = arith.constant 0 : index
    %get3A_48 = vector.load %arg9[%get3A_46, %get3A_47] : memref<1x512xf32, #tpu.memory_space<vmem>>, vector<1x512xf32>
    %reduce_sum3A = arith.constant dense<0.000000e+00> : vector<512xf32>
    %reduce_sum3A_49 = vector.multi_reduction <add>, %add3A_40, %reduce_sum3A [0] : vector<1024x512xf32> to vector<512xf32>
    %broadcast_in_dim3A = vector.shape_cast %reduce_sum3A_49 : vector<512xf32> to vector<1x512xf32>
    %add3A_50 = arith.addf %get3A_48, %broadcast_in_dim3A : vector<1x512xf32>
    %swap3A_51 = arith.constant 0 : index
    %swap3A_52 = arith.constant 0 : index
    %swap3A_53 = vector.load %arg9[%swap3A_51, %swap3A_52] : memref<1x512xf32, #tpu.memory_space<vmem>>, vector<1x512xf32>
    tpu.vector_store %arg9[%swap3A_51, %swap3A_52], %add3A_50 {strides = array<i32>} : memref<1x512xf32, #tpu.memory_space<vmem>>, vector<1x512xf32>,
    %get3A_54 = arith.constant 0 : index
    %get3A_55 = arith.constant 0 : index
    %get3A_56 = vector.load %arg10[%get3A_54, %get3A_55] : memref<1x512xf32, #tpu.memory_space<vmem>>, vector<1x512xf32>
    %mul3A_57 = arith.mulf %add3A_40, %add3A_40 : vector<1024x512xf32>
    %reduce_sum3A_58 = arith.constant dense<0.000000e+00> : vector<512xf32>
    %reduce_sum3A_59 = vector.multi_reduction <add>, %mul3A_57, %reduce_sum3A_58 [0] : vector<1024x512xf32> to vector<512xf32>
    %broadcast_in_dim3A_60 = vector.shape_cast %reduce_sum3A_59 : vector<512xf32> to vector<1x512xf32>
    %add3A_61 = arith.addf %get3A_56, %broadcast_in_dim3A_60 : vector<1x512xf32>
    %swap3A_62 = arith.constant 0 : index
    %swap3A_63 = arith.constant 0 : index
    %swap3A_64 = vector.load %arg10[%swap3A_62, %swap3A_63] : memref<1x512xf32, #tpu.memory_space<vmem>>, vector<1x512xf32>
    tpu.vector_store %arg10[%swap3A_62, %swap3A_63], %add3A_61 {strides = array<i32>} : memref<1x512xf32, #tpu.memory_space<vmem>>, vector<1x512xf32>,
    return
  }
  func.func @transform_0(%arg0: i32) -> (i32, i32) {
    %c0_i32 = arith.constant 0 : i32
    %c0_i32_0 = arith.constant 0 : i32
    return %arg0, %c0_i32 : i32, i32
  }
  func.func @transform_1(%arg0: i32) -> (i32, i32) {
    %c0_i32 = arith.constant 0 : i32
    %c0_i32_0 = arith.constant 0 : i32
    %c0_i32_1 = arith.constant 0 : i32
    return %c0_i32, %c0_i32_0 : i32, i32
  }
  func.func @transform_2(%arg0: i32) -> (i32, i32) {
    %c0_i32 = arith.constant 0 : i32
    %c0_i32_0 = arith.constant 0 : i32
    %c0_i32_1 = arith.constant 0 : i32
    return %c0_i32, %c0_i32_0 : i32, i32
  }
  func.func @transform_3(%arg0: i32) -> (i32, i32) {
    %c0_i32 = arith.constant 0 : i32
    %c0_i32_0 = arith.constant 0 : i32
    %c0_i32_1 = arith.constant 0 : i32
    return %c0_i32, %c0_i32_0 : i32, i32
  }
  func.func @transform_4(%arg0: i32) -> (i32, i32) {
    %c0_i32 = arith.constant 0 : i32
    %c0_i32_0 = arith.constant 0 : i32
    %c0_i32_1 = arith.constant 0 : i32
    return %c0_i32, %c0_i32_0 : i32, i32
  }
  func.func @transform_5(%arg0: i32) -> (i32, i32) {
    %c0_i32 = arith.constant 0 : i32
    %c0_i32_0 = arith.constant 0 : i32
    %c0_i32_1 = arith.constant 0 : i32
    return %c0_i32, %c0_i32_0 : i32, i32
  }
  func.func @transform_6(%arg0: i32) -> (i32, i32) {
    %c0_i32 = arith.constant 0 : i32
    %c0_i32_0 = arith.constant 0 : i32
    %c0_i32_1 = arith.constant 0 : i32
    return %c0_i32, %c0_i32_0 : i32, i32
  }
  func.func @transform_7(%arg0: i32) -> (i32, i32) {
    %c0_i32 = arith.constant 0 : i32
    %c0_i32_0 = arith.constant 0 : i32
    return %arg0, %c0_i32 : i32, i32
  }
  func.func @transform_8(%arg0: i32) -> (i32, i32) {
    %c0_i32 = arith.constant 0 : i32
    %c0_i32_0 = arith.constant 0 : i32
    %c0_i32_1 = arith.constant 0 : i32
    return %c0_i32, %c0_i32_0 : i32, i32
  }
  func.func @transform_9(%arg0: i32) -> (i32, i32) {
    %c0_i32 = arith.constant 0 : i32
    %c0_i32_0 = arith.constant 0 : i32
    %c0_i32_1 = arith.constant 0 : i32
    return %c0_i32, %c0_i32_0 : i32, i32
  }
}

module attributes {stable_mosaic.version = 14 : i64} {
  func.func @_mid_body(%arg0: i32, %arg1: memref<1024x512xf32, #tpu.memory_space<vmem>>, %arg2: memref<1x512xf32, #tpu.memory_space<vmem>>, %arg3: memref<1x512xf32, #tpu.memory_space<vmem>>, %arg4: memref<1x512xf32, #tpu.memory_space<vmem>>, %arg5: memref<1x512xf32, #tpu.memory_space<vmem>>, %arg6: memref<512x256xf32, #tpu.memory_space<vmem>>, %arg7: memref<1x256xf32, #tpu.memory_space<vmem>>, %arg8: memref<1024x256xf32, #tpu.memory_space<vmem>>, %arg9: memref<1x256xf32, #tpu.memory_space<vmem>>, %arg10: memref<1x256xf32, #tpu.memory_space<vmem>>) attributes {dimension_semantics = [#tpu.dimension_semantics<arbitrary>], iteration_bounds = array<i64: 4>, scalar_prefetch = 0 : i64, scratch_operands = 0 : i64, tpu.core_type = #tpu.core_type<tc>, window_params = [{transform_indices = @transform_0, window_bounds = array<i64: 1024, 512>}, {pipeline_mode = #tpu.pipeline_mode<synchronous>, transform_indices = @transform_1, window_bounds = array<i64: 1, 512>}, {pipeline_mode = #tpu.pipeline_mode<synchronous>, transform_indices = @transform_2, window_bounds = array<i64: 1, 512>}, {pipeline_mode = #tpu.pipeline_mode<synchronous>, transform_indices = @transform_3, window_bounds = array<i64: 1, 512>}, {pipeline_mode = #tpu.pipeline_mode<synchronous>, transform_indices = @transform_4, window_bounds = array<i64: 1, 512>}, {pipeline_mode = #tpu.pipeline_mode<synchronous>, transform_indices = @transform_5, window_bounds = array<i64: 512, 256>}, {pipeline_mode = #tpu.pipeline_mode<synchronous>, transform_indices = @transform_6, window_bounds = array<i64: 1, 256>}, {transform_indices = @transform_7, window_bounds = array<i64: 1024, 256>}, {pipeline_mode = #tpu.pipeline_mode<synchronous>, transform_indices = @transform_8, window_bounds = array<i64: 1, 256>}, {pipeline_mode = #tpu.pipeline_mode<synchronous>, transform_indices = @transform_9, window_bounds = array<i64: 1, 256>}]} {
    %get3A = arith.constant 0 : index
    %get3A_0 = arith.constant 0 : index
    %get3A_1 = vector.load %arg2[%get3A, %get3A_0] : memref<1x512xf32, #tpu.memory_space<vmem>>, vector<1x512xf32>
    %mul3A = arith.constant 2.44140625E-4 : f32
    %mul3A_2 = vector.broadcast %mul3A : f32 to vector<1x512xf32>
    %mul3A_3 = arith.mulf %get3A_1, %mul3A_2 : vector<1x512xf32>
    %get3A_4 = arith.constant 0 : index
    %get3A_5 = arith.constant 0 : index
    %get3A_6 = vector.load %arg3[%get3A_4, %get3A_5] : memref<1x512xf32, #tpu.memory_space<vmem>>, vector<1x512xf32>
    %mul3A_7 = arith.constant 2.44140625E-4 : f32
    %mul3A_8 = vector.broadcast %mul3A_7 : f32 to vector<1x512xf32>
    %mul3A_9 = arith.mulf %get3A_6, %mul3A_8 : vector<1x512xf32>
    %mul3A_10 = arith.mulf %mul3A_3, %mul3A_3 : vector<1x512xf32>
    %sub3A = arith.subf %mul3A_9, %mul3A_10 : vector<1x512xf32>
    %get3A_11 = arith.constant 0 : index
    %get3A_12 = arith.constant 0 : index
    %get3A_13 = vector.load %arg4[%get3A_11, %get3A_12] : memref<1x512xf32, #tpu.memory_space<vmem>>, vector<1x512xf32>
    %add3A = arith.constant 9.99999974E-6 : f32
    %add3A_14 = vector.broadcast %add3A : f32 to vector<1x512xf32>
    %add3A_15 = arith.addf %sub3A, %add3A_14 : vector<1x512xf32>
    %rsqrt3A = math.rsqrt %add3A_15 : vector<1x512xf32>
    %mul3A_16 = arith.mulf %get3A_13, %rsqrt3A : vector<1x512xf32>
    %get3A_17 = arith.constant 0 : index
    %get3A_18 = arith.constant 0 : index
    %get3A_19 = vector.load %arg5[%get3A_17, %get3A_18] : memref<1x512xf32, #tpu.memory_space<vmem>>, vector<1x512xf32>
    %mul3A_20 = arith.mulf %mul3A_3, %mul3A_16 : vector<1x512xf32>
    %sub3A_21 = arith.subf %get3A_19, %mul3A_20 : vector<1x512xf32>
    %get3A_22 = arith.constant 0 : index
    %get3A_23 = arith.constant 0 : index
    %get3A_24 = vector.load %arg1[%get3A_22, %get3A_23] : memref<1024x512xf32, #tpu.memory_space<vmem>>, vector<1024x512xf32>
    %mul3A_25 = vector.broadcast %mul3A_16 : vector<1x512xf32> to vector<1024x512xf32>
    %mul3A_26 = arith.mulf %get3A_24, %mul3A_25 : vector<1024x512xf32>
    %add3A_27 = vector.broadcast %sub3A_21 : vector<1x512xf32> to vector<1024x512xf32>
    %add3A_28 = arith.addf %mul3A_26, %add3A_27 : vector<1024x512xf32>
    %max3A = arith.constant 0.000000e+00 : f32
    %max3A_29 = vector.broadcast %max3A : f32 to vector<1024x512xf32>
    %max3A_30 = arith.maximumf %add3A_28, %max3A_29 : vector<1024x512xf32>
    %convert_element_type3A = arith.truncf %max3A_30 : vector<1024x512xf32> to vector<1024x512xbf16>
    %get3A_31 = arith.constant 0 : index
    %get3A_32 = arith.constant 0 : index
    %get3A_33 = vector.load %arg6[%get3A_31, %get3A_32] : memref<512x256xf32, #tpu.memory_space<vmem>>, vector<512x256xf32>
    %convert_element_type3A_34 = arith.truncf %get3A_33 : vector<512x256xf32> to vector<512x256xbf16>
    %dot_general3A = arith.constant dense<0.000000e+00> : vector<1024x256xf32>
    %dot_general3A_35 = tpu.matmul %convert_element_type3A, %convert_element_type3A_34, %dot_general3A {dimension_numbers = #tpu.dot_dimension_numbers<[1], [0], [0], [1], [0, 0, 1, 1], [], []>, transpose_lhs_hint = false} : vector<1024x512xbf16>, vector<512x256xbf16>, vector<1024x256xf32> -> vector<1024x256xf32>
    %get3A_36 = arith.constant 0 : index
    %get3A_37 = arith.constant 0 : index
    %get3A_38 = vector.load %arg7[%get3A_36, %get3A_37] : memref<1x256xf32, #tpu.memory_space<vmem>>, vector<1x256xf32>
    %add3A_39 = vector.broadcast %get3A_38 : vector<1x256xf32> to vector<1024x256xf32>
    %add3A_40 = arith.addf %dot_general3A_35, %add3A_39 : vector<1024x256xf32>
    %swap3A = arith.constant 0 : index
    %swap3A_41 = arith.constant 0 : index
    %swap3A_42 = vector.load %arg8[%swap3A, %swap3A_41] : memref<1024x256xf32, #tpu.memory_space<vmem>>, vector<1024x256xf32>
    tpu.vector_store %arg8[%swap3A, %swap3A_41], %add3A_40 {strides = array<i32>} : memref<1024x256xf32, #tpu.memory_space<vmem>>, vector<1024x256xf32>,
    %eq3A = arith.constant 0 : i32
    %eq3A_43 = arith.cmpi eq, %arg0, %eq3A : i32
    %convert_element_type3A_44 = arith.extui %eq3A_43 : i1 to i32
    %cond3A = arith.constant 0 : i32
    %cond3A_45 = arith.cmpi ne, %convert_element_type3A_44, %cond3A : i32
    scf.if %cond3A_45 {
      %broadcast_in_dim3A_65 = arith.constant 0.000000e+00 : f32
      %broadcast_in_dim3A_66 = vector.broadcast %broadcast_in_dim3A_65 : f32 to vector<1x256xf32>
      %swap3A_67 = arith.constant 0 : index
      %swap3A_68 = arith.constant 0 : index
      %swap3A_69 = vector.load %arg9[%swap3A_67, %swap3A_68] : memref<1x256xf32, #tpu.memory_space<vmem>>, vector<1x256xf32>
      tpu.vector_store %arg9[%swap3A_67, %swap3A_68], %broadcast_in_dim3A_66 {strides = array<i32>} : memref<1x256xf32, #tpu.memory_space<vmem>>, vector<1x256xf32>,
      %broadcast_in_dim3A_70 = arith.constant 0.000000e+00 : f32
      %broadcast_in_dim3A_71 = vector.broadcast %broadcast_in_dim3A_70 : f32 to vector<1x256xf32>
      %swap3A_72 = arith.constant 0 : index
      %swap3A_73 = arith.constant 0 : index
      %swap3A_74 = vector.load %arg10[%swap3A_72, %swap3A_73] : memref<1x256xf32, #tpu.memory_space<vmem>>, vector<1x256xf32>
      tpu.vector_store %arg10[%swap3A_72, %swap3A_73], %broadcast_in_dim3A_71 {strides = array<i32>} : memref<1x256xf32, #tpu.memory_space<vmem>>, vector<1x256xf32>,
    } else {
    }
    %get3A_46 = arith.constant 0 : index
    %get3A_47 = arith.constant 0 : index
    %get3A_48 = vector.load %arg9[%get3A_46, %get3A_47] : memref<1x256xf32, #tpu.memory_space<vmem>>, vector<1x256xf32>
    %reduce_sum3A = arith.constant dense<0.000000e+00> : vector<256xf32>
    %reduce_sum3A_49 = vector.multi_reduction <add>, %add3A_40, %reduce_sum3A [0] : vector<1024x256xf32> to vector<256xf32>
    %broadcast_in_dim3A = vector.shape_cast %reduce_sum3A_49 : vector<256xf32> to vector<1x256xf32>
    %add3A_50 = arith.addf %get3A_48, %broadcast_in_dim3A : vector<1x256xf32>
    %swap3A_51 = arith.constant 0 : index
    %swap3A_52 = arith.constant 0 : index
    %swap3A_53 = vector.load %arg9[%swap3A_51, %swap3A_52] : memref<1x256xf32, #tpu.memory_space<vmem>>, vector<1x256xf32>
    tpu.vector_store %arg9[%swap3A_51, %swap3A_52], %add3A_50 {strides = array<i32>} : memref<1x256xf32, #tpu.memory_space<vmem>>, vector<1x256xf32>,
    %get3A_54 = arith.constant 0 : index
    %get3A_55 = arith.constant 0 : index
    %get3A_56 = vector.load %arg10[%get3A_54, %get3A_55] : memref<1x256xf32, #tpu.memory_space<vmem>>, vector<1x256xf32>
    %mul3A_57 = arith.mulf %add3A_40, %add3A_40 : vector<1024x256xf32>
    %reduce_sum3A_58 = arith.constant dense<0.000000e+00> : vector<256xf32>
    %reduce_sum3A_59 = vector.multi_reduction <add>, %mul3A_57, %reduce_sum3A_58 [0] : vector<1024x256xf32> to vector<256xf32>
    %broadcast_in_dim3A_60 = vector.shape_cast %reduce_sum3A_59 : vector<256xf32> to vector<1x256xf32>
    %add3A_61 = arith.addf %get3A_56, %broadcast_in_dim3A_60 : vector<1x256xf32>
    %swap3A_62 = arith.constant 0 : index
    %swap3A_63 = arith.constant 0 : index
    %swap3A_64 = vector.load %arg10[%swap3A_62, %swap3A_63] : memref<1x256xf32, #tpu.memory_space<vmem>>, vector<1x256xf32>
    tpu.vector_store %arg10[%swap3A_62, %swap3A_63], %add3A_61 {strides = array<i32>} : memref<1x256xf32, #tpu.memory_space<vmem>>, vector<1x256xf32>,
    return
  }
  func.func @transform_0(%arg0: i32) -> (i32, i32) {
    %c0_i32 = arith.constant 0 : i32
    %c0_i32_0 = arith.constant 0 : i32
    return %arg0, %c0_i32 : i32, i32
  }
  func.func @transform_1(%arg0: i32) -> (i32, i32) {
    %c0_i32 = arith.constant 0 : i32
    %c0_i32_0 = arith.constant 0 : i32
    %c0_i32_1 = arith.constant 0 : i32
    return %c0_i32, %c0_i32_0 : i32, i32
  }
  func.func @transform_2(%arg0: i32) -> (i32, i32) {
    %c0_i32 = arith.constant 0 : i32
    %c0_i32_0 = arith.constant 0 : i32
    %c0_i32_1 = arith.constant 0 : i32
    return %c0_i32, %c0_i32_0 : i32, i32
  }
  func.func @transform_3(%arg0: i32) -> (i32, i32) {
    %c0_i32 = arith.constant 0 : i32
    %c0_i32_0 = arith.constant 0 : i32
    %c0_i32_1 = arith.constant 0 : i32
    return %c0_i32, %c0_i32_0 : i32, i32
  }
  func.func @transform_4(%arg0: i32) -> (i32, i32) {
    %c0_i32 = arith.constant 0 : i32
    %c0_i32_0 = arith.constant 0 : i32
    %c0_i32_1 = arith.constant 0 : i32
    return %c0_i32, %c0_i32_0 : i32, i32
  }
  func.func @transform_5(%arg0: i32) -> (i32, i32) {
    %c0_i32 = arith.constant 0 : i32
    %c0_i32_0 = arith.constant 0 : i32
    %c0_i32_1 = arith.constant 0 : i32
    return %c0_i32, %c0_i32_0 : i32, i32
  }
  func.func @transform_6(%arg0: i32) -> (i32, i32) {
    %c0_i32 = arith.constant 0 : i32
    %c0_i32_0 = arith.constant 0 : i32
    %c0_i32_1 = arith.constant 0 : i32
    return %c0_i32, %c0_i32_0 : i32, i32
  }
  func.func @transform_7(%arg0: i32) -> (i32, i32) {
    %c0_i32 = arith.constant 0 : i32
    %c0_i32_0 = arith.constant 0 : i32
    return %arg0, %c0_i32 : i32, i32
  }
  func.func @transform_8(%arg0: i32) -> (i32, i32) {
    %c0_i32 = arith.constant 0 : i32
    %c0_i32_0 = arith.constant 0 : i32
    %c0_i32_1 = arith.constant 0 : i32
    return %c0_i32, %c0_i32_0 : i32, i32
  }
  func.func @transform_9(%arg0: i32) -> (i32, i32) {
    %c0_i32 = arith.constant 0 : i32
    %c0_i32_0 = arith.constant 0 : i32
    %c0_i32_1 = arith.constant 0 : i32
    return %c0_i32, %c0_i32_0 : i32, i32
  }
}

module attributes {stable_mosaic.version = 14 : i64} {
  func.func @_final_body(%arg0: i32, %arg1: memref<1024x256xf32, #tpu.memory_space<vmem>>, %arg2: memref<1x256xf32, #tpu.memory_space<vmem>>, %arg3: memref<1x256xf32, #tpu.memory_space<vmem>>, %arg4: memref<1x256xf32, #tpu.memory_space<vmem>>, %arg5: memref<1x256xf32, #tpu.memory_space<vmem>>, %arg6: memref<1x256xf32, #tpu.memory_space<vmem>>, %arg7: memref<1x1xf32, #tpu.memory_space<vmem>>, %arg8: memref<1024x1xf32, #tpu.memory_space<vmem>>) attributes {dimension_semantics = [#tpu.dimension_semantics<arbitrary>], iteration_bounds = array<i64: 4>, scalar_prefetch = 0 : i64, scratch_operands = 0 : i64, tpu.core_type = #tpu.core_type<tc>, window_params = [{transform_indices = @transform_0, window_bounds = array<i64: 1024, 256>}, {pipeline_mode = #tpu.pipeline_mode<synchronous>, transform_indices = @transform_1, window_bounds = array<i64: 1, 256>}, {pipeline_mode = #tpu.pipeline_mode<synchronous>, transform_indices = @transform_2, window_bounds = array<i64: 1, 256>}, {pipeline_mode = #tpu.pipeline_mode<synchronous>, transform_indices = @transform_3, window_bounds = array<i64: 1, 256>}, {pipeline_mode = #tpu.pipeline_mode<synchronous>, transform_indices = @transform_4, window_bounds = array<i64: 1, 256>}, {pipeline_mode = #tpu.pipeline_mode<synchronous>, transform_indices = @transform_5, window_bounds = array<i64: 1, 256>}, {pipeline_mode = #tpu.pipeline_mode<synchronous>, transform_indices = @transform_6, window_bounds = array<i64: 1, 1>}, {transform_indices = @transform_7, window_bounds = array<i64: 1024, 1>}]} {
    %get3A = arith.constant 0 : index
    %get3A_0 = arith.constant 0 : index
    %get3A_1 = vector.load %arg2[%get3A, %get3A_0] : memref<1x256xf32, #tpu.memory_space<vmem>>, vector<1x256xf32>
    %mul3A = arith.constant 2.44140625E-4 : f32
    %mul3A_2 = vector.broadcast %mul3A : f32 to vector<1x256xf32>
    %mul3A_3 = arith.mulf %get3A_1, %mul3A_2 : vector<1x256xf32>
    %get3A_4 = arith.constant 0 : index
    %get3A_5 = arith.constant 0 : index
    %get3A_6 = vector.load %arg3[%get3A_4, %get3A_5] : memref<1x256xf32, #tpu.memory_space<vmem>>, vector<1x256xf32>
    %mul3A_7 = arith.constant 2.44140625E-4 : f32
    %mul3A_8 = vector.broadcast %mul3A_7 : f32 to vector<1x256xf32>
    %mul3A_9 = arith.mulf %get3A_6, %mul3A_8 : vector<1x256xf32>
    %mul3A_10 = arith.mulf %mul3A_3, %mul3A_3 : vector<1x256xf32>
    %sub3A = arith.subf %mul3A_9, %mul3A_10 : vector<1x256xf32>
    %get3A_11 = arith.constant 0 : index
    %get3A_12 = arith.constant 0 : index
    %get3A_13 = vector.load %arg4[%get3A_11, %get3A_12] : memref<1x256xf32, #tpu.memory_space<vmem>>, vector<1x256xf32>
    %add3A = arith.constant 9.99999974E-6 : f32
    %add3A_14 = vector.broadcast %add3A : f32 to vector<1x256xf32>
    %add3A_15 = arith.addf %sub3A, %add3A_14 : vector<1x256xf32>
    %rsqrt3A = math.rsqrt %add3A_15 : vector<1x256xf32>
    %mul3A_16 = arith.mulf %get3A_13, %rsqrt3A : vector<1x256xf32>
    %get3A_17 = arith.constant 0 : index
    %get3A_18 = arith.constant 0 : index
    %get3A_19 = vector.load %arg5[%get3A_17, %get3A_18] : memref<1x256xf32, #tpu.memory_space<vmem>>, vector<1x256xf32>
    %mul3A_20 = arith.mulf %mul3A_3, %mul3A_16 : vector<1x256xf32>
    %sub3A_21 = arith.subf %get3A_19, %mul3A_20 : vector<1x256xf32>
    %get3A_22 = arith.constant 0 : index
    %get3A_23 = arith.constant 0 : index
    %get3A_24 = vector.load %arg1[%get3A_22, %get3A_23] : memref<1024x256xf32, #tpu.memory_space<vmem>>, vector<1024x256xf32>
    %mul3A_25 = vector.broadcast %mul3A_16 : vector<1x256xf32> to vector<1024x256xf32>
    %mul3A_26 = arith.mulf %get3A_24, %mul3A_25 : vector<1024x256xf32>
    %add3A_27 = vector.broadcast %sub3A_21 : vector<1x256xf32> to vector<1024x256xf32>
    %add3A_28 = arith.addf %mul3A_26, %add3A_27 : vector<1024x256xf32>
    %max3A = arith.constant 0.000000e+00 : f32
    %max3A_29 = vector.broadcast %max3A : f32 to vector<1024x256xf32>
    %max3A_30 = arith.maximumf %add3A_28, %max3A_29 : vector<1024x256xf32>
    %get3A_31 = arith.constant 0 : index
    %get3A_32 = arith.constant 0 : index
    %get3A_33 = vector.load %arg6[%get3A_31, %get3A_32] : memref<1x256xf32, #tpu.memory_space<vmem>>, vector<1x256xf32>
    %mul3A_34 = vector.broadcast %get3A_33 : vector<1x256xf32> to vector<1024x256xf32>
    %mul3A_35 = arith.mulf %max3A_30, %mul3A_34 : vector<1024x256xf32>
    %reduce_sum3A = arith.constant dense<0.000000e+00> : vector<1024xf32>
    %reduce_sum3A_36 = vector.multi_reduction <add>, %mul3A_35, %reduce_sum3A [1] : vector<1024x256xf32> to vector<1024xf32>
    %broadcast_in_dim3A = vector.shape_cast %reduce_sum3A_36 : vector<1024xf32> to vector<1024x1xf32>
    %get3A_37 = arith.constant 0 : index
    %get3A_38 = arith.constant 0 : index
    %get3A_39 = vector.load %arg7[%get3A_37, %get3A_38] : memref<1x1xf32, #tpu.memory_space<vmem>>, vector<1x1xf32>
    %get3A_40 = vector.extract %get3A_39[0, 0] : f32 from vector<1x1xf32>
    %add3A_41 = vector.broadcast %get3A_40 : f32 to vector<1024x1xf32>
    %add3A_42 = arith.addf %broadcast_in_dim3A, %add3A_41 : vector<1024x1xf32>
    %swap3A = arith.constant 0 : index
    %swap3A_43 = arith.constant 0 : index
    %swap3A_44 = vector.load %arg8[%swap3A, %swap3A_43] : memref<1024x1xf32, #tpu.memory_space<vmem>>, vector<1024x1xf32>
    tpu.vector_store %arg8[%swap3A, %swap3A_43], %add3A_42 {strides = array<i32>} : memref<1024x1xf32, #tpu.memory_space<vmem>>, vector<1024x1xf32>,
    return
  }
  func.func @transform_0(%arg0: i32) -> (i32, i32) {
    %c0_i32 = arith.constant 0 : i32
    %c0_i32_0 = arith.constant 0 : i32
    return %arg0, %c0_i32 : i32, i32
  }
  func.func @transform_1(%arg0: i32) -> (i32, i32) {
    %c0_i32 = arith.constant 0 : i32
    %c0_i32_0 = arith.constant 0 : i32
    %c0_i32_1 = arith.constant 0 : i32
    return %c0_i32, %c0_i32_0 : i32, i32
  }
  func.func @transform_2(%arg0: i32) -> (i32, i32) {
    %c0_i32 = arith.constant 0 : i32
    %c0_i32_0 = arith.constant 0 : i32
    %c0_i32_1 = arith.constant 0 : i32
    return %c0_i32, %c0_i32_0 : i32, i32
  }
  func.func @transform_3(%arg0: i32) -> (i32, i32) {
    %c0_i32 = arith.constant 0 : i32
    %c0_i32_0 = arith.constant 0 : i32
    %c0_i32_1 = arith.constant 0 : i32
    return %c0_i32, %c0_i32_0 : i32, i32
  }
  func.func @transform_4(%arg0: i32) -> (i32, i32) {
    %c0_i32 = arith.constant 0 : i32
    %c0_i32_0 = arith.constant 0 : i32
    %c0_i32_1 = arith.constant 0 : i32
    return %c0_i32, %c0_i32_0 : i32, i32
  }
  func.func @transform_5(%arg0: i32) -> (i32, i32) {
    %c0_i32 = arith.constant 0 : i32
    %c0_i32_0 = arith.constant 0 : i32
    %c0_i32_1 = arith.constant 0 : i32
    return %c0_i32, %c0_i32_0 : i32, i32
  }
  func.func @transform_6(%arg0: i32) -> (i32, i32) {
    %c0_i32 = arith.constant 0 : i32
    %c0_i32_0 = arith.constant 0 : i32
    %c0_i32_1 = arith.constant 0 : i32
    return %c0_i32, %c0_i32_0 : i32, i32
  }
  func.func @transform_7(%arg0: i32) -> (i32, i32) {
    %c0_i32 = arith.constant 0 : i32
    %c0_i32_0 = arith.constant 0 : i32
    return %arg0, %c0_i32 : i32, i32
  }
}

</mosaic_0001>

<sc_bundles>
// kernel: kernel.7.cloned.1.call-start
scs
__scs_entry_jumppad:
0x0: {  	(pc) =	sbr.rel $0x88, $3  }
0x1: {  	(tag) =	ssettag $0x0;
	lr =	simm.s32 $0x1  }
0x2: {  	[smem:$0x3F91] =	sst lr;
	_ =	strace $0xD0000000  }
0x3: {  	_ = 	snop  }
0x4: {  	_ = 	snop  }
0x5: {  	_ = 	snop  }
0x6: {  	_ = 	snop  }
0x7: {  	_ = 	snop  }
__scs_overlays_trampoline_lowered:
0x8: {  	[smem:$0x3FA0] =	sst s0  }
0x9: {  	[smem:$0x3FA1] =	sst s1  }
0xa: {  	[smem:$0x3FA2] =	sst s2  }
0xb: {  	[smem:$0x3FA3] =	sst s3  }
0xc: {  	[smem:$0x3FA4] =	sst s4  }
0xd: {  	[smem:$0x3FA5] =	sst s5  }
0xe: {  	[smem:$0x3FA6] =	sst s6  }
0xf: {  	[smem:$0x3FA7] =	sst s7  }
0x10: {  	[smem:$0x3FA8] =	sst s8  }
0x11: {  	[smem:$0x3FA9] =	sst s9;
	s0 =	simm.s32 @!p0 $0x0  }
0x12: {  	s1 =	sld [smem:$0x3F8F];
	s0 =	simm.s32 @p0 $0x1  }
0x13: {  	[smem:$0x3FAA] =	sst s0;
	s0 =	simm.s32 @!p1 $0x0  }
0x14: {  	s2 =	sld [smem:$0x3F8E];
	s0 =	simm.s32 @p1 $0x1  }
0x15: {  	[smem:$0x3FAB] =	sst s0;
	s0 =	simm.s32 @!p2 $0x0  }
0x16: {  	s3 =	sld [smem:$0x3FDB];
	s0 =	simm.s32 @p2 $0x1  }
0x17: {  	s4 =	simm.s32 $0x1BF5;
	[smem:$0x3FAD] =	sst s0  }
0x18: {  	s0 =	sld [smem:$0x3F90];
	_ =	swait.ge [sflag:s4], $0x0  }
0x19: {  	s7 =	sld [smem:$0x3F91]  }
0x1a: {  	s8 =	sadd.s32 $0xFFFFE003, lr  }
0x1b: {  	s9 =	sadd.s32 $0xFFFFFEF7, lr;
	s5 =	simm.s32 $0xFFFFFFFF;
	p2 =	slt.u32 s8, $0xFFFFF086  }
0x1c: {  	p1 =	slt.u32 s9, $0xF7A;
	s5 =	simm.s32 @!p2 $0x0  }
0x1d: {  	s5 =	simm.s32 @p1 $0x1;
	p0 =	seq.s32 s7, s2  }
0x1e: {  	s7 =	smul.u32 @!p0 $0xF7A, s2;
	p2 =	seq.s32 @!p0 s5, $0x0  }
0x1f: {  	s9 =	smul.u32 $0xF7A, s1;
	s8 =	simm.s32 @!p0 $0x1BF5;
	p2 =	por !p2, p0  }
0x20: {  	[sflag:s8] =	ssyncset.s32 @!p0 $0xFFFFF086;
	s6 =	sadd.s32 @!p0 s3, s7;
	s7 =	simm.s32 @!p0 $0x108  }
0x21: {  	s3 =	sadd.s32 s3, s9;
	s6 =	sadd.s32 @!p0 $0x88, s6;
	s7 =	simm.s32 @p2 $0x1082  }
0x22: {  	[simem:s7], [sflag:s8] =	dma.local @!p0 [hbm:s6], $0xF7A  }
0x23: {  	s9 =	sor.u32 $0xD0000000, s2;
	s6 =	simm.s32 $0x108;
	_ =	swait.ge @!p0 [sflag:s8], $0x0  }
0x24: {  	s3 =	sadd.s32 $0x88, s3;
	s6 =	simm.s32 @!p1 $0x1082;
	[sflag:s4] =	ssyncset.s32 $0xFFFFF086  }
0x25: {  	[simem:s6], [sflag:s4] =	dma.local [hbm:s3], $0xF7A  }
0x26: {  	[smem:$0x3F91] =	sst s1;
	(tag) =	ssettag s2;
	_ =	strace s9  }
0x27: {  	s1 =	sld [smem:$0x3FA1]  }
0x28: {  	s2 =	sld [smem:$0x3FA2]  }
0x29: {  	s4 =	sld [smem:$0x3FA4]  }
0x2a: {  	p0 =	seq.s32 s5, $0x0;
	s5 =	sld [smem:$0x3FA5]  }
0x2b: {  	s6 =	sld [smem:$0x3FA6]  }
0x2c: {  	s7 =	sld [smem:$0x3FA7]  }
0x2d: {  	s3 =	simm.s32 $0x108;
	s8 =	sld [smem:$0x3FA8]  }
0x2e: {  	s3 =	simm.s32 @!p0 $0x1082;
	s9 =	sld [smem:$0x3FA9]  }
0x2f: {  	lr =	sadd.s32 s0, s3;
	s0 =	sld [smem:$0x3FA0]  }
0x30: {  	s3 =	sld [smem:$0x3FA3]  }
0x31: {  	[smem:$0x3FAC] =	sst s10  }
0x32: {  	s10 =	sld [smem:$0x3FAA];
	_ =	sdelay $0x3  }
0x33: {  	p0 =	seq.s32 s10, $0x1;
	s10 =	sld [smem:$0x3FAC];
	_ =	sdelay $0x3  }
0x34: {  	[smem:$0x3FAC] =	sst s10  }
0x35: {  	s10 =	sld [smem:$0x3FAB];
	_ =	sdelay $0x3  }
0x36: {  	p1 =	seq.s32 s10, $0x1;
	s10 =	sld [smem:$0x3FAC];
	_ =	sdelay $0x3  }
0x37: {  	[smem:$0x3FAC] =	sst s10  }
0x38: {  	s10 =	sld [smem:$0x3FAD]  }
0x39: {  	_ = 	snop;
	(pc) =	sbr.ind lr, $3  }
0x3a: {  	_ = 	snop  }
0x3b: {  	_ = 	snop  }
0x3c: {  	p2 =	seq.s32 s10, $0x1;
	s10 =	sld [smem:$0x3FAC]  }
0x3d: {  	_ =	shalt  }
0x3e: {  	_ =	shalt  }
0x3f: {  	_ =	shalt  }
0x40: {  	_ =	shalt  }
0x41: {  	_ =	shalt  }
0x42: {  	_ =	shalt  }
0x43: {  	_ =	shalt  }
0x44: {  	_ =	shalt  }
0x45: {  	_ =	shalt  }
0x46: {  	_ =	shalt  }
0x47: {  	_ =	shalt  }
0x48: {  	_ =	shalt  }
0x49: {  	_ =	shalt  }
0x4a: {  	_ =	shalt  }
0x4b: {  	_ =	shalt  }
0x4c: {  	_ =	shalt  }
0x4d: {  	_ =	shalt  }
0x4e: {  	_ =	shalt  }
0x4f: {  	_ =	shalt  }
0x50: {  	_ =	shalt  }
0x51: {  	_ =	shalt  }
0x52: {  	_ =	shalt  }
0x53: {  	_ =	shalt  }
0x54: {  	_ =	shalt  }
0x55: {  	_ =	shalt  }
0x56: {  	_ =	shalt  }
0x57: {  	_ =	shalt  }
0x58: {  	_ =	shalt  }
0x59: {  	_ =	shalt  }
0x5a: {  	_ =	shalt  }
0x5b: {  	_ =	shalt  }
0x5c: {  	_ =	shalt  }
0x5d: {  	_ =	shalt  }
0x5e: {  	_ =	shalt  }
0x5f: {  	_ =	shalt  }
0x60: {  	_ =	shalt  }
0x61: {  	_ =	shalt  }
0x62: {  	_ =	shalt  }
0x63: {  	_ =	shalt  }
0x64: {  	_ =	shalt  }
0x65: {  	_ =	shalt  }
0x66: {  	_ =	shalt  }
0x67: {  	_ =	shalt  }
0x68: {  	_ =	shalt  }
0x69: {  	_ =	shalt  }
0x6a: {  	_ =	shalt  }
0x6b: {  	_ =	shalt  }
0x6c: {  	_ =	shalt  }
0x6d: {  	_ =	shalt  }
0x6e: {  	_ =	shalt  }
0x6f: {  	_ =	shalt  }
0x70: {  	_ =	shalt  }
0x71: {  	_ =	shalt  }
0x72: {  	_ =	shalt  }
0x73: {  	_ =	shalt  }
0x74: {  	_ =	shalt  }
0x75: {  	_ =	shalt  }
0x76: {  	_ =	shalt  }
0x77: {  	_ =	shalt  }
0x78: {  	_ =	shalt  }
0x79: {  	_ =	shalt  }
0x7a: {  	_ =	shalt  }
0x7b: {  	_ =	shalt  }
0x7c: {  	_ =	shalt  }
0x7d: {  	_ =	shalt  }
0x7e: {  	_ =	shalt  }
0x7f: {  	_ =	shalt  }
0x80: {  	_ =	shalt  }
0x81: {  	_ =	shalt  }
0x82: {  	_ =	shalt  }
0x83: {  	_ =	shalt  }
0x84: {  	_ =	shalt  }
0x85: {  	_ =	shalt  }
0x86: {  	_ =	shalt  }
0x87: {  	_ =	shalt  }
.Lfunc_end0:
.L_simem_size_0:
called_computation_lowered:
.L_overlay_start_0:
0x88: {  	s2 =	sld [smem:$0x3FD9]  }
0x89: {  	s3 =	sld [smem:$0x3FFE];
	_ =	sdelay $0x1  }
0x8a: {  	s1 =	srdreg.scid  }
0x8b: {  	s0 =	sand.u32 $0x1, s1  }
0x8c: {  	s16 =	sshll.u32 s0, $0xA;
	s2 =	sadd.s32 s3, s2  }
0x8d: {  	s2 =	sadd.s32 s2, s16  }
0x8e: {  	[smem:$0x3FB8] =	sst s2  }
0x8f: {  	_ = 	snop  }
0x90: {  	(tm) =	ssettm $0x1  }
0x91: {  	s17 =	sld [smem:$0x3FFB];
	_ =	sdelay $0x3  }
0x92: {  	_ =	strace s17  }
0x93: {  	s2 =	sld [smem:$0x3FFC];
	_ =	sdelay $0x3  }
0x94: {  	_ =	strace s2  }
0x95: {  	s2 =	sld [smem:$0x3FFD];
	_ =	sdelay $0x3  }
0x96: {  	_ =	strace s2  }
0x97: {  	_ =	strace $0x8FFFFFFF  }
0x98: {  	s18 =	sld [smem:$0x3FDB];
	_ =	sdelay $0x1  }
0x99: {  	s19 =	simm.s32 $_scs_section_size  }
0x9a: {  	s4 =	simm.s32 $_size__tile_overlayer_lowered;
	s5 =	simm.s32 $_tile_overlayer_lowered  }
0x9b: {  	s22 =	simm.s32 $0x1BFF;
	s21 =	sshll.u32 s5, $0x1;
	s2 =	sadd.s32 s19, s18  }
0x9c: {  	s6 =	simm.s32 $0x0;
	s20 =	sshll.u32 s4, $0x1;
	s4 =	sadd.s32 s21, s2  }
0x9d: {  	[timem:s6], [sflag:s22] =	dma.local [hbm:s4], s20  }
0x9e: {  	_ =	swait.ge [sflag:s22], s20  }
0x9f: {  	s3 =	ssub.s32 $0x0, s20;
	[sflag:s22] =	ssyncset.done $0x0  }
0xa0: {  	[sflag:s22] =	ssyncadd.s32 s3;
	_ =	sdelay $0x1  }
0xa1: {  	s23 =	simm.s32 $0x1B8B  }
0xa2: {  	_ =	swait.ge [sflag:s23], $0x1  }
0xa3: {  	[sflag:s23] =	ssyncset.done $0x0  }
0xa4: {  	s25 =	simm.s32 $0x1B8E;
	s24 =	sld [smem:$0x3FFE];
	[sflag:s23] =	ssyncadd.s32 $0xFFFFFFFF  }
0xa5: {  	s26 =	simm.s32 $execute0_lowered;
	[smem:$0x3FD2] =	sst s25  }
0xa6: {  	s4 =	sshll.u32 s26, $0x1;
	_ =	strace $0x80000046;
	[dreg:$0x1] =	wrdreg $0xFFFFFFFF  }
0xa7: {  	s28 =	simm.s32 $_size_execute0_lowered;
	s2 =	sadd.s32 s2, s4;
	[dreg:$0x0] =	wrdreg $0x0  }
0xa8: {  	s4 =	sshll.u32 s28, $0x1;
	[dreg:$0x2] =	wrdreg s2  }
0xa9: {  	[dreg:$0x3] =	wrdreg s4  }
0xaa: {  	[dreg:$0x4] =	wrdreg $0xC0  }
0xab: {  	_ =	task [dreg:s6], $0x5FFFF  }
0xac: {  	[dreg:$0x1] =	wrdreg $0xFFFFFFFF  }
0xad: {  	[dreg:$0x0] =	wrdreg $0x60  }
0xae: {  	[dreg:$0x2] =	wrdreg s24  }
0xaf: {  	[dreg:$0x3] =	wrdreg $0x9  }
0xb0: {  	_ =	task.clear_ibuf [dreg:s6], $0x4FFFF;
	_ =	strace $0x90000046  }
0xb1: {  	s29 =	simm.s32 $0x9;
	_ =	strace $0x80000048  }
0xb2: {  	_ =	swait.ge [sflag:s29], $0x1  }
0xb3: {  	[sflag:s29] =	ssyncadd.s32 $0xFFFFFFFF  }
0xb4: {  	_ =	strace $0x90000048  }
0xb5: {  	_ =	sfence  }
0xb6: {  	s30 =	sld [smem:$0x0];
	_ =	sdelay $0x2  }
0xb7: {  	s31 =	sshll.u32 s1, $0xD;
	s1 =	sshrl.u32 s1, $0x2  }
0xb8: {  	s3 =	sand.u32 $0x4000, s31;
	s1 =	sadd.s32 s1, s30  }
0xb9: {  	s0 =	sor.u32 s3, s0;
	s1 =	sshll.u32 s1, $0x11  }
0xba: {  	s0 =	sor.u32 s1, s0  }
0xbb: {  	s0 =	sadd.s32 $0x8F2B, s0  }
0xbc: {  	[sflag:s0] =	ssyncadd.remote.s32 $0x1  }
0xbd: {  	_ =	sfence.sel $0xFFFF  }
0xbe: {  	[dreg:$0x0] =	wrdreg $0xFFFFFFFF;
	(pc) =	sbr.abs _section_cstart, $3  }
0xbf: {  	[dreg:$0x1] =	wrdreg $0xFFFFFFFF  }
0xc0: {  	_ =	task.clear_ibuf [dreg:s6], $0x2FFFF;
	_ =	strace $0x9FFFFFFF  }
0xc1: {  	(tm) =	ssettm $0x7FFFFFFF  }
tec
execute0_lowered:
.L_overlay_start_1:
0x0: {  	(tag) =	ssettag $0x1  }
0x1: {  	s1 =	srdreg.scid  }
0x2: {  	s0 =	stileid.u32;
	s4 =	rddreg [dreg:$0x0];
	s2 =	simm.s32 $0x0  }
0x3: {  	s13 =	simm.s32 $0x80;
	s14 =	simm.s32 $0xD00;
	s15 =	simm.s32 $0x2D00  }
0x4: {  	s16 =	simm.s32 $0x4D00;
	s17 =	simm.s32 $0x6D00;
	s18 =	simm.s32 $0x1  }
0x5: {  	s19 =	simm.s32 $0x2;
	s20 =	simm.s32 $0x3;
	s21 =	simm.s32 $0x4  }
0x6: {  	s22 =	simm.s32 $0xC00;
	s23 =	simm.s32 $0xC80;
	s8 =	smul.u32 $0x1A00, s0  }
0x7: {  	s24 =	simm.s32 $0x0;
	s1 =	sand.u32 $0x1, s1;
	s31 =	smul.u32 $0xD000, s0  }
0x8: {  	s3 =	sshll.u32 s0, $0x1;
	[smem:$0x7FF] =	sst s2;
	s11 =	smul.u32 $0xD00, s1  }
0x9: {  	s5 =	sor.u32 s1, s3;
	s7 =	ssub.s32 $0x2, s1;
	s1 =	smul.u32 $0x6800, s1  }
0xa: {  	s10 =	sadd.s32 $0x38E00, s4;
	_ =	strace $0x80000047;
	s6 =	smul.u32 $0xD00, s5  }
0xb: {  	s3 =	sadd.s32 $0x2C00, s4;
	s5 =	smul.u32 $0x34000, s5;
	s9 =	sshrl.u32 s7, $0x1  }
0xc: {  	s7 =	ssub.s32 s7, s9;
	s8 =	sadd.s32 s11, s8;
	s6 =	sshrl.u32 s6, $0x3  }
0xd: {  	s5 =	sshrl.u32 s5, $0x3;
	s8 =	sshll.u32 s8, $0x3;
	s7 =	smax.u32 s7, $0x1  }
0xe: {  	s4 =	sadd.s32 s6, s4;
	s30 =	sadd.s32 s10, s5;
	s12 =	sadd.s32 s10, s8  }
0xf: {  	s10 =	sadd.s32 s31, s10;
	s4 =	sadd.s32 $0x35A00, s4;
	s5 =	sadd.s32 $0x6000, s30  }
0x10: {  	s6 =	sadd.s32 $0x6400, s30;
	s8 =	sadd.s32 $0x800, s12;
	s9 =	sadd.s32 $0x400, s12  }
0x11: {  	s10 =	sadd.s32 s1, s10;
	s11 =	sadd.s32 $0xC00, s12;
	s12 =	simm.s32 $0x5  }
.LBB2_1:
0x12: {  	[tilespmem:s2], [sflag:$0x5] =	stream.linear.gather [hbm4b:s4+s2], $0xD00, $0x38;
	[tilespmem:$0x8D00] =	vst v63  }
0x13: {  	_ =	swait.ge [sflag:s12], $0xD00  }
0x14: {  	[sflag:s12] =	ssyncset.done $0x0  }
0x15: {  	s1 =	simm.s32 $0x0;
	[sflag:s12] =	ssyncadd.s32 $0xFFFFF300  }
0x16: {  	[tilespmem:s14], [sflag:$0x1] =	stream.indirect.gather [hbm4b:s3+s13], $0x40, s1, s13, $0xb8;
	[tilespmem:$0x8D00] =	vst v63  }
0x17: {  	s0 =	simm.s32 $0x80  }
0x18: {  	[tilespmem:s15], [sflag:$0x2] =	stream.indirect.gather [hbm4b:s3+s13], $0x40, s0, s13, $0xb8;
	[tilespmem:$0x8D00] =	vst v63  }
0x19: {  	s25 =	simm.s32 $0x100  }
0x1a: {  	[tilespmem:s16], [sflag:$0x3] =	stream.indirect.gather [hbm4b:s3+s13], $0x40, s25, s13, $0xb8;
	[tilespmem:$0x8D00] =	vst v63  }
0x1b: {  	s26 =	simm.s32 $0x180  }
0x1c: {  	[tilespmem:s17], [sflag:$0x4] =	stream.indirect.gather [hbm4b:s3+s13], $0x40, s26, s13, $0xb8;
	[tilespmem:$0x8D00] =	vst v63  }
0x1d: {  	_ =	swait.ge [sflag:s18], $0x2000  }
0x1e: {  	[sflag:s18] =	ssyncset.done $0x0  }
0x1f: {  	[sflag:s18] =	ssyncadd.s32 $0xFFFFE000  }
0x20: {  	[hbm4b:s10+s2] =	stream.linear.scatter [tilespmem:s14], [sflag:$0x5], $0x2000, $0x38;
	[tilespmem:$0x8D00] =	vst v63  }
0x21: {  	_ =	swait.ge [sflag:s12], $0x2000  }
0x22: {  	[sflag:s12] =	ssyncset.done $0x0  }
0x23: {  	[sflag:s12] =	ssyncadd.s32 $0xFFFFE000  }
0x24: {  	_ =	swait.ge [sflag:s19], $0x2000  }
0x25: {  	[sflag:s19] =	ssyncset.done $0x0  }
0x26: {  	[sflag:s19] =	ssyncadd.s32 $0xFFFFE000  }
0x27: {  	[hbm4b:s9+s2] =	stream.linear.scatter [tilespmem:s15], [sflag:$0x5], $0x2000, $0x38;
	[tilespmem:$0x8D00] =	vst v63  }
0x28: {  	_ =	swait.ge [sflag:s12], $0x2000  }
0x29: {  	[sflag:s12] =	ssyncset.done $0x0  }
0x2a: {  	[sflag:s12] =	ssyncadd.s32 $0xFFFFE000  }
0x2b: {  	_ =	swait.ge [sflag:s20], $0x2000  }
0x2c: {  	[sflag:s20] =	ssyncset.done $0x0  }
0x2d: {  	[sflag:s20] =	ssyncadd.s32 $0xFFFFE000  }
0x2e: {  	[hbm4b:s8+s2] =	stream.linear.scatter [tilespmem:s16], [sflag:$0x5], $0x2000, $0x38;
	[tilespmem:$0x8D00] =	vst v63  }
0x2f: {  	_ =	swait.ge [sflag:s12], $0x2000  }
0x30: {  	[sflag:s12] =	ssyncset.done $0x0  }
0x31: {  	[sflag:s12] =	ssyncadd.s32 $0xFFFFE000  }
0x32: {  	_ =	swait.ge [sflag:s21], $0x2000  }
0x33: {  	[sflag:s21] =	ssyncset.done $0x0  }
0x34: {  	s30 =	simm.s32 $0x800;
	s31 =	simm.s32 $0x1000;
	[sflag:s21] =	ssyncadd.s32 $0xFFFFE000  }
0x35: {  	[hbm4b:s11+s2] =	stream.linear.scatter [tilespmem:s17], [sflag:$0x5], $0x2000, $0x38;
	[tilespmem:$0x8D00] =	vst v63  }
0x36: {  	s29 =	sadd.s32 $0x1000, s10;
	s28 =	sadd.s32 $0x1000, s9;
	_ =	swait.ge [sflag:s12], $0x2000  }
0x37: {  	s25 =	sadd.s32 $0x1000, s11;
	s26 =	sadd.s32 $0x1000, s8;
	[sflag:s12] =	ssyncset.done $0x0  }
.LBB2_2:
0x38: {  	s0 =	sshra.s32 s30, $0x2  }
0x39: {  	[sflag:s12] =	ssyncadd.s32 $0xFFFFE000;
	s30 =	smov.u32 s31;
	s1 =	sadd.s32 $0x800, s31  }
0x3a: {  	[tilespmem:s14], [sflag:$0x1] =	stream.indirect.gather [hbm4b:s3+s13], $0x40, s0, s13, $0xb8;
	[tilespmem:$0x8D00] =	vst v63  }
0x3b: {  	p0 =	sne.s32 s31, $0x2800;
	s31 =	sadd.s32 $0x80, s0  }
0x3c: {  	[tilespmem:s15], [sflag:$0x2] =	stream.indirect.gather [hbm4b:s3+s13], $0x40, s31, s13, $0xb8;
	[tilespmem:$0x8D00] =	vst v63  }
0x3d: {  	s31 =	sadd.s32 $0x100, s0  }
0x3e: {  	[tilespmem:s16], [sflag:$0x3] =	stream.indirect.gather [hbm4b:s3+s13], $0x40, s31, s13, $0xb8;
	[tilespmem:$0x8D00] =	vst v63  }
0x3f: {  	s0 =	sadd.s32 $0x180, s0  }
0x40: {  	[tilespmem:s17], [sflag:$0x4] =	stream.indirect.gather [hbm4b:s3+s13], $0x40, s0, s13, $0xb8;
	[tilespmem:$0x8D00] =	vst v63  }
0x41: {  	_ =	swait.ge [sflag:s18], $0x2000  }
0x42: {  	[sflag:s18] =	ssyncset.done $0x0  }
0x43: {  	[sflag:s18] =	ssyncadd.s32 $0xFFFFE000  }
0x44: {  	[hbm4b:s29+s2] =	stream.linear.scatter [tilespmem:s14], [sflag:$0x5], $0x2000, $0x38;
	[tilespmem:$0x8D00] =	vst v63  }
0x45: {  	_ =	swait.ge [sflag:s12], $0x2000  }
0x46: {  	[sflag:s12] =	ssyncset.done $0x0  }
0x47: {  	[sflag:s12] =	ssyncadd.s32 $0xFFFFE000  }
0x48: {  	_ =	swait.ge [sflag:s19], $0x2000  }
0x49: {  	[sflag:s19] =	ssyncset.done $0x0  }
0x4a: {  	[sflag:s19] =	ssyncadd.s32 $0xFFFFE000  }
0x4b: {  	[hbm4b:s28+s2] =	stream.linear.scatter [tilespmem:s15], [sflag:$0x5], $0x2000, $0x38;
	[tilespmem:$0x8D00] =	vst v63  }
0x4c: {  	_ =	swait.ge [sflag:s12], $0x2000  }
0x4d: {  	[sflag:s12] =	ssyncset.done $0x0  }
0x4e: {  	[sflag:s12] =	ssyncadd.s32 $0xFFFFE000  }
0x4f: {  	_ =	swait.ge [sflag:s20], $0x2000  }
0x50: {  	[sflag:s20] =	ssyncset.done $0x0  }
0x51: {  	[sflag:s20] =	ssyncadd.s32 $0xFFFFE000  }
0x52: {  	[hbm4b:s26+s2] =	stream.linear.scatter [tilespmem:s16], [sflag:$0x5], $0x2000, $0x38;
	[tilespmem:$0x8D00] =	vst v63  }
0x53: {  	_ =	swait.ge [sflag:s12], $0x2000  }
0x54: {  	[sflag:s12] =	ssyncset.done $0x0  }
0x55: {  	[sflag:s12] =	ssyncadd.s32 $0xFFFFE000  }
0x56: {  	_ =	swait.ge [sflag:s21], $0x2000  }
.Ltmp0:
0x57: {  	[sflag:s21] =	ssyncset.done $0x0;
	(pc) =	sbr.rel @p0 .LBB2_2-.Ltmp0, $4  }
0x58: {  	s31 =	smov.u32 s1;
	[sflag:s21] =	ssyncadd.s32 $0xFFFFE000  }
0x59: {  	[hbm4b:s25+s2] =	stream.linear.scatter [tilespmem:s17], [sflag:$0x5], $0x2000, $0x38;
	[tilespmem:$0x8D00] =	vst v63  }
0x5a: {  	s29 =	sadd.s32 $0x1000, s29;
	s25 =	sadd.s32 $0x1000, s25;
	_ =	swait.ge [sflag:s12], $0x2000  }
0x5b: {  	s28 =	sadd.s32 $0x1000, s28;
	s26 =	sadd.s32 $0x1000, s26;
	[sflag:s12] =	ssyncset.done $0x0  }
0x5c: {  	s0 =	sshra.s32 s30, $0x2;
	[sflag:s12] =	ssyncadd.s32 $0xFFFFE000  }
0x5d: {  	[tilespmem:s14], [sflag:$0x1] =	stream.indirect.gather [hbm4b:s3+s13], $0x40, s0, s13, $0xb8;
	[tilespmem:$0x8D00] =	vst v63  }
0x5e: {  	s1 =	sadd.s32 $0x80, s0  }
0x5f: {  	[tilespmem:s15], [sflag:$0x2] =	stream.indirect.gather [hbm4b:s3+s13], $0x40, s1, s13, $0xb8;
	[tilespmem:$0x8D00] =	vst v63  }
0x60: {  	s31 =	sadd.s32 $0x100, s0  }
0x61: {  	[tilespmem:s16], [sflag:$0x3] =	stream.indirect.gather [hbm4b:s3+s13], $0x40, s31, s13, $0xb8;
	[tilespmem:$0x8D00] =	vst v63  }
0x62: {  	s0 =	sadd.s32 $0x180, s0  }
0x63: {  	[tilespmem:s17], [sflag:$0x4] =	stream.indirect.gather [hbm4b:s3+s13], $0x40, s0, s13, $0xb8;
	[tilespmem:$0x8D00] =	vst v63  }
0x64: {  	_ =	swait.ge [sflag:s18], $0x2000  }
0x65: {  	[sflag:s18] =	ssyncset.done $0x0  }
0x66: {  	[sflag:s18] =	ssyncadd.s32 $0xFFFFE000  }
0x67: {  	[hbm4b:s29+s2] =	stream.linear.scatter [tilespmem:s14], [sflag:$0x5], $0x2000, $0x38;
	[tilespmem:$0x8D00] =	vst v63  }
0x68: {  	_ =	swait.ge [sflag:s12], $0x2000  }
0x69: {  	[sflag:s12] =	ssyncset.done $0x0  }
0x6a: {  	[sflag:s12] =	ssyncadd.s32 $0xFFFFE000  }
0x6b: {  	_ =	swait.ge [sflag:s19], $0x2000  }
0x6c: {  	[sflag:s19] =	ssyncset.done $0x0  }
0x6d: {  	[sflag:s19] =	ssyncadd.s32 $0xFFFFE000  }
0x6e: {  	[hbm4b:s28+s2] =	stream.linear.scatter [tilespmem:s15], [sflag:$0x5], $0x2000, $0x38;
	[tilespmem:$0x8D00] =	vst v63  }
0x6f: {  	_ =	swait.ge [sflag:s12], $0x2000  }
0x70: {  	[sflag:s12] =	ssyncset.done $0x0  }
0x71: {  	[sflag:s12] =	ssyncadd.s32 $0xFFFFE000  }
0x72: {  	_ =	swait.ge [sflag:s20], $0x2000  }
0x73: {  	[sflag:s20] =	ssyncset.done $0x0  }
0x74: {  	[sflag:s20] =	ssyncadd.s32 $0xFFFFE000  }
0x75: {  	[hbm4b:s26+s2] =	stream.linear.scatter [tilespmem:s16], [sflag:$0x5], $0x2000, $0x38;
	[tilespmem:$0x8D00] =	vst v63  }
0x76: {  	_ =	swait.ge [sflag:s12], $0x2000  }
0x77: {  	[sflag:s12] =	ssyncset.done $0x0  }
0x78: {  	[sflag:s12] =	ssyncadd.s32 $0xFFFFE000  }
0x79: {  	_ =	swait.ge [sflag:s21], $0x2000  }
0x7a: {  	[sflag:s21] =	ssyncset.done $0x0  }
0x7b: {  	[sflag:s21] =	ssyncadd.s32 $0xFFFFE000  }
0x7c: {  	[hbm4b:s25+s2] =	stream.linear.scatter [tilespmem:s17], [sflag:$0x5], $0x2000, $0x38;
	[tilespmem:$0x8D00] =	vst v63  }
0x7d: {  	_ =	swait.ge [sflag:s12], $0x2000  }
0x7e: {  	[sflag:s12] =	ssyncset.done $0x0  }
0x7f: {  	[sflag:s12] =	ssyncadd.s32 $0xFFFFE000  }
0x80: {  	[tilespmem:s14], [sflag:$0x1] =	stream.indirect.gather [hbm4b:s3+s13], $0x40, s22, s13, $0xb8;
	[tilespmem:$0x8D00] =	vst v63  }
0x81: {  	_ = 	snop  }
0x82: {  	[tilespmem:s15], [sflag:$0x2] =	stream.indirect.gather [hbm4b:s3+s13], $0x40, s23, s13, $0xb8;
	[tilespmem:$0x8D00] =	vst v63  }
0x83: {  	_ =	swait.ge [sflag:s18], $0x2000  }
0x84: {  	[sflag:s18] =	ssyncset.done $0x0  }
0x85: {  	[sflag:s18] =	ssyncadd.s32 $0xFFFFE000  }
0x86: {  	[hbm4b:s5+s2] =	stream.linear.scatter [tilespmem:s14], [sflag:$0x5], $0x2000, $0x38;
	[tilespmem:$0x8D00] =	vst v63  }
0x87: {  	_ =	swait.ge [sflag:s12], $0x2000  }
0x88: {  	[sflag:s12] =	ssyncset.done $0x0  }
0x89: {  	[sflag:s12] =	ssyncadd.s32 $0xFFFFE000  }
0x8a: {  	s24 =	sadd.s32 $0x1, s24;
	_ =	swait.ge [sflag:s19], $0x2000  }
0x8b: {  	p0 =	sne.s32 s24, s7;
	[sflag:s19] =	ssyncset.done $0x0  }
.Ltmp1:
0x8c: {  	[sflag:s19] =	ssyncadd.s32 $0xFFFFE000;
	(pc) =	sbr.rel @p0 .LBB2_1-.Ltmp1, $4  }
0x8d: {  	[hbm4b:s6+s2] =	stream.linear.scatter [tilespmem:s15], [sflag:$0x5], $0x2000, $0x38;
	[tilespmem:$0x8D00] =	vst v63  }
0x8e: {  	_ =	swait.ge [sflag:s12], $0x2000  }
0x8f: {  	[sflag:s12] =	ssyncset.done $0x0  }
0x90: {  	[sflag:s12] =	ssyncadd.s32 $0xFFFFE000  }
0x91: {  	_ =	sfence.sel $0x180000  }
0x92: {  	[bflag:$0x0] =	sbarrier.arrive $0xFFFF  }
0x93: {  	_ =	strace $0x90000047  }
0x94: {  	s0 =	stileid.u32;
	[bflag:$0x2] =	sbarrier.arrive $0xFFFF  }
0x95: {  	p0 =	sne.s32 s0, $0x0;
	s0 =	rddreg [dreg:$0x1]  }
0x96: {  	s0 =	sadd.s32 @!p0 $0x100000, s0  }
0x97: {  	[sflag:s0] =	ssyncadd.tile.s32 @!p0 $0x1;
	_ =	shalt  }
.Lfunc_end2:
_tile_overlayer_lowered:
.L_overlay_start_2:
0x98: {  	(tag) =	ssettag $0x2  }
0x99: {  	s0 =	rddreg [dreg:$0x0];
	s2 =	stileid.u32  }
0x9a: {  	s1 =	rddreg [dreg:$0x1];
	p0 =	sne.s32 s2, $0x0  }
0x9b: {  	s3 =	rddreg [dreg:$0x2];
	[bflag:$0x3] =	sbarrier.arrive $0xFFFF;
	s2 =	simm.s32 @!p0 $0x1C05  }
0x9c: {  	[timem:s3], [sflag:s2] =	dma.local @!p0 [hbm:s0], s1  }
0x9d: {  	s0 =	simm.s32 @!p0 $0x5  }
0x9e: {  	_ =	swait.ge @!p0 [sflag:s0], s1  }
0x9f: {  	s1 =	ssub.s32 @!p0 $0x0, s1;
	[sflag:s0] =	ssyncset.done @!p0 $0x0  }
0xa0: {  	[sflag:s0] =	ssyncadd.s32 @!p0 s1  }
0xa1: {  	[bflag:$0x3] =	sbarrier.arrive $0xFFFF  }
0xa2: {  	_ =	shalt  }

</sc_bundles>
